<compile_context>
chip_gen: v7x
topology: tpu7x:2x2x1
jax: 0.10.2.dev20260603
libtpu: 0.0.44.dev20260713+nightly
codegen_flags: <defaults>
</compile_context>

<pallas_src>
import functools

import jax
import jax.numpy as jnp
from jax import lax
from jax.experimental import pallas as pl
from jax.experimental.pallas import tpu as pltpu
from jax.experimental.pallas import tpu_sc as plsc

_B = 4
_N = 8192
_C = 32
_S = 512
_K = 32
_R = 0.2
_CP = 48
_ST = 128
_RT = 4096
_NROW = _B * _S * _K



def _fps_body(xyzt_ref, far0_ref, newx_ref, dist_ref):
    x = xyzt_ref[:, 0, :]
    y = xyzt_ref[:, 1, :]
    z = xyzt_ref[:, 2, :]
    n_iota = lax.broadcasted_iota(jnp.int32, (_B, _N), 1)
    s_iota = lax.broadcasted_iota(jnp.int32, (_B, _S), 1)
    far0 = jnp.min(
        jnp.where(far0_ref[...] > 0.0, n_iota, jnp.int32(_N)), axis=1,
        keepdims=True)
    dist_ref[...] = jnp.full((_B, _N), 1e10, jnp.float32)

    def body(i, st):
        far, nx, ny, nz = st
        msk = n_iota == far
        cx = jnp.sum(jnp.where(msk, x, 0.0), axis=1, keepdims=True)
        cy = jnp.sum(jnp.where(msk, y, 0.0), axis=1, keepdims=True)
        cz = jnp.sum(jnp.where(msk, z, 0.0), axis=1, keepdims=True)
        s_msk = s_iota == i
        nx = jnp.where(s_msk, cx, nx)
        ny = jnp.where(s_msk, cy, ny)
        nz = jnp.where(s_msk, cz, nz)
        dx = x - cx
        dy = y - cy
        dz = z - cz
        d = dx * dx + dy * dy + dz * dz
        dist = jnp.minimum(dist_ref[...], d)
        dist_ref[...] = dist
        m = jnp.max(dist, axis=1, keepdims=True)
        far = jnp.min(jnp.where(dist == m, n_iota, jnp.int32(_N)), axis=1,
                      keepdims=True)
        return (far, nx, ny, nz)

    zero = jnp.zeros((_B, _S), jnp.float32)
    _, nx, ny, nz = lax.fori_loop(0, _S, body, (far0, zero, zero, zero))
    newx_ref[:, 0, :] = nx
    newx_ref[:, 1, :] = ny
    newx_ref[:, 2, :] = nz


def _run_fps(xyzt, far0_oh):
    return pl.pallas_call(
        _fps_body,
        out_shape=jax.ShapeDtypeStruct((_B, 3, _S), jnp.float32),
        scratch_shapes=[pltpu.VMEM((_B, _N), jnp.float32)],
    )(xyzt, far0_oh)



def _bf(v):
    return v.astype(jnp.bfloat16).astype(jnp.float32)


def _two_sum(p, q):
    s = p + q
    pp = s - q
    qq = s - pp
    return s, (p - pp) + (q - qq)


def _ball_body(xyzt_ref, nc_ref, idx_ref, dist_ref):
    b = pl.program_id(0)
    x = xyzt_ref[0, 0:1, :]
    y = xyzt_ref[0, 1:2, :]
    z = xyzt_ref[0, 2:3, :]
    c = nc_ref[0]
    l3 = lax.broadcasted_iota(jnp.int32, (_ST, 3), 1)
    cx = jnp.sum(jnp.where(l3 == 0, c, 0.0), axis=1, keepdims=True)
    cy = jnp.sum(jnp.where(l3 == 1, c, 0.0), axis=1, keepdims=True)
    cz = jnp.sum(jnp.where(l3 == 2, c, 0.0), axis=1, keepdims=True)
    a2 = (cx * cx + cy * cy) + cz * cz
    b2 = (x * x + y * y) + z * z
    p0 = _bf(cx) * _bf(x)
    p1 = _bf(cy) * _bf(y)
    p2 = _bf(cz) * _bf(z)
    s01, e01 = _two_sum(p0, p1)
    t, e2 = _two_sum(s01, p2)
    ab = t + (e01 + e2)
    dist_ref[...] = jnp.maximum((a2 + b2) - 2.0 * ab, 0.0)

    n_iota = lax.broadcasted_iota(jnp.int32, (_ST, _N), 1) + b * _N
    k_iota = lax.broadcasted_iota(jnp.int32, (_ST, _K), 1)
    big = jnp.int32(1 << 30)

    def rnd(k, st):
        out, first = st
        d = dist_ref[...]
        m = jnp.min(d, axis=1, keepdims=True)
        sel = jnp.min(jnp.where(d == m, n_iota, big), axis=1, keepdims=True)
        dist_ref[...] = jnp.where(n_iota == sel, jnp.float32(3e38), d)
        first = jnp.where(k == 0, sel, first)
        chosen = jnp.where(jnp.sqrt(m) > _R, first, sel)
        out = jnp.where(k_iota == k, chosen, out)
        return (out, first)

    out0 = jnp.zeros((_ST, _K), jnp.int32)
    f0 = jnp.zeros((_ST, 1), jnp.int32)
    out, _ = lax.fori_loop(0, _K, rnd, (out0, f0))
    idx_ref[0] = out


def _run_ball(xyzt, nc):
    grid = (_B, _S // _ST)
    return pl.pallas_call(
        _ball_body,
        grid=grid,
        in_specs=[
            pl.BlockSpec((1, 3, _N), lambda b, t: (b, 0, 0)),
            pl.BlockSpec((1, _ST, 3), lambda b, t: (b, t, 0)),
        ],
        out_specs=pl.BlockSpec((1, _ST, _K), lambda b, t: (b, t, 0)),
        out_shape=jax.ShapeDtypeStruct((_B, _S, _K), jnp.int32),
        scratch_shapes=[pltpu.VMEM((_ST, _N), jnp.float32)],
    )(xyzt, nc)



_NW = 32
_CH = 128
_NCHUNK = _NROW // (_NW * _CH)


def _sc_gather_body(pts_hbm, gidx_hbm, out_hbm, idx_v, rows_v, sem):
    wid = lax.axis_index("s") * 2 + lax.axis_index("c")

    def body(j, carry):
        base = (wid * _NCHUNK + j) * _CH
        pltpu.sync_copy(gidx_hbm.at[pl.ds(base, _CH)], idx_v)
        pltpu.async_copy(pts_hbm.at[idx_v], rows_v, sem).wait()
        pltpu.sync_copy(rows_v, out_hbm.at[pl.ds(base, _CH)])
        return carry

    lax.fori_loop(0, _NCHUNK, body, 0)


def _run_sc_gather(pts, gidx):
    mesh = plsc.VectorSubcoreMesh(core_axis_name="c", subcore_axis_name="s")
    fn = functools.partial(
        pl.kernel,
        mesh=mesh,
        compiler_params=pltpu.CompilerParams(use_tc_tiling_on_sc=False),
        out_type=jax.ShapeDtypeStruct((_NROW, _CP), jnp.float32),
        scratch_types=[
            pltpu.VMEM((_CH,), jnp.int32),
            pltpu.VMEM((_CH, _CP), jnp.float32),
            pltpu.SemaphoreType.DMA,
        ],
    )(_sc_gather_body)
    return fn(pts, gidx)



def _mlpA_body(g_ref, ctr_ref, w_ref, b_ref, y_ref, st_ref, acc_ref):
    t = pl.program_id(0)

    @pl.when(t == 0)
    def _():
        acc_ref[...] = jnp.zeros((8, 128), jnp.float32)

    xv = g_ref[...] - ctr_ref[...]
    y = lax.dot_general(xv, w_ref[...], (((1,), (0,)), ((), ())),
                        preferred_element_type=jnp.float32,
                        precision=lax.Precision.HIGHEST) + b_ref[...]
    y_ref[...] = y
    acc_ref[0:1, 0:_C] += jnp.sum(y, axis=0, keepdims=True)
    acc_ref[1:2, 0:_C] += jnp.sum(y * y, axis=0, keepdims=True)

    @pl.when(t == pl.num_programs(0) - 1)
    def _():
        st_ref[...] = acc_ref[...]


def _run_mlpA(g, ctr, w1p, b1r):
    grid = (_NROW // _RT,)
    return pl.pallas_call(
        _mlpA_body,
        grid=grid,
        in_specs=[
            pl.BlockSpec((_RT, _CP), lambda t: (t, 0)),
            pl.BlockSpec((_RT, _CP), lambda t: (t, 0)),
            pl.BlockSpec((_CP, _C), lambda t: (0, 0)),
            pl.BlockSpec((1, _C), lambda t: (0, 0)),
        ],
        out_specs=[
            pl.BlockSpec((_RT, _C), lambda t: (t, 0)),
            pl.BlockSpec((8, 128), lambda t: (0, 0)),
        ],
        out_shape=[
            jax.ShapeDtypeStruct((_NROW, _C), jnp.float32),
            jax.ShapeDtypeStruct((8, 128), jnp.float32),
        ],
        scratch_shapes=[pltpu.VMEM((8, 128), jnp.float32)],
    )(g, ctr, w1p, b1r)


def _mlpB_body(y_ref, st_ref, g_ref, be_ref, w_ref, b_ref, z_ref, st2_ref,
               acc_ref):
    t = pl.program_id(0)

    @pl.when(t == 0)
    def _():
        acc_ref[...] = jnp.zeros((8, 128), jnp.float32)

    n = jnp.float32(_NROW)
    mean = st_ref[0:1, 0:_C] / n
    var = st_ref[1:2, 0:_C] / n - mean * mean
    xn = (y_ref[...] - mean) / jnp.sqrt(var + 1e-5) * g_ref[...] + be_ref[...]
    xr = jnp.maximum(xn, 0.0)
    z = lax.dot_general(xr, w_ref[...], (((1,), (0,)), ((), ())),
                        preferred_element_type=jnp.float32,
                        precision=lax.Precision.HIGHEST) + b_ref[...]
    z_ref[...] = z
    acc_ref[0:1, 0:2 * _C] += jnp.sum(z, axis=0, keepdims=True)
    acc_ref[1:2, 0:2 * _C] += jnp.sum(z * z, axis=0, keepdims=True)

    @pl.when(t == pl.num_programs(0) - 1)
    def _():
        st2_ref[...] = acc_ref[...]


def _run_mlpB(y1, st1, g1r, be1r, w2t, b2r):
    grid = (_NROW // _RT,)
    return pl.pallas_call(
        _mlpB_body,
        grid=grid,
        in_specs=[
            pl.BlockSpec((_RT, _C), lambda t: (t, 0)),
            pl.BlockSpec((8, 128), lambda t: (0, 0)),
            pl.BlockSpec((1, _C), lambda t: (0, 0)),
            pl.BlockSpec((1, _C), lambda t: (0, 0)),
            pl.BlockSpec((_C, 2 * _C), lambda t: (0, 0)),
            pl.BlockSpec((1, 2 * _C), lambda t: (0, 0)),
        ],
        out_specs=[
            pl.BlockSpec((_RT, 2 * _C), lambda t: (t, 0)),
            pl.BlockSpec((8, 128), lambda t: (0, 0)),
        ],
        out_shape=[
            jax.ShapeDtypeStruct((_NROW, 2 * _C), jnp.float32),
            jax.ShapeDtypeStruct((8, 128), jnp.float32),
        ],
        scratch_shapes=[pltpu.VMEM((8, 128), jnp.float32)],
    )(y1, st1, g1r, be1r, w2t, b2r)


def _mlpC_body(z_ref, st_ref, g_ref, be_ref, o_ref):
    n = jnp.float32(_NROW)
    mean = st_ref[0:1, 0:2 * _C] / n
    var = st_ref[1:2, 0:2 * _C] / n - mean * mean
    xn = (z_ref[...] - mean) / jnp.sqrt(var + 1e-5) * g_ref[...] + be_ref[...]
    xr = jnp.maximum(xn, 0.0)
    o_ref[...] = jnp.max(xr.reshape(_RT // _K, _K, 2 * _C), axis=1)


def _run_mlpC(z, st2, g2r, be2r):
    grid = (_NROW // _RT,)
    return pl.pallas_call(
        _mlpC_body,
        grid=grid,
        in_specs=[
            pl.BlockSpec((_RT, 2 * _C), lambda t: (t, 0)),
            pl.BlockSpec((8, 128), lambda t: (0, 0)),
            pl.BlockSpec((1, 2 * _C), lambda t: (0, 0)),
            pl.BlockSpec((1, 2 * _C), lambda t: (0, 0)),
        ],
        out_specs=pl.BlockSpec((_RT // _K, 2 * _C), lambda t: (t, 0)),
        out_shape=jax.ShapeDtypeStruct((_B * _S, 2 * _C), jnp.float32),
    )(z, st2, g2r, be2r)



def kernel(xyz, feat, W1, b1, g1, be1, W2, b2, g2, be2):
    xyzt = xyz.transpose(0, 2, 1)
    far0 = jax.random.randint(jax.random.key(42), (_B,), 0, _N).astype(
        jnp.int32)
    far0_oh = (far0[:, None] == jnp.arange(_N, dtype=jnp.int32)[None, :]
               ).astype(jnp.float32)

    newxt = _run_fps(xyzt, far0_oh)
    new_xyz = newxt.transpose(0, 2, 1)

    gidx3 = _run_ball(xyzt, new_xyz)
    gidx = gidx3.reshape(_NROW)

    pts = jnp.concatenate(
        [xyz, feat, jnp.zeros((_B, _N, _CP - 3 - _C), jnp.float32)], axis=-1
    ).reshape(_B * _N, _CP)
    g = _run_sc_gather(pts, gidx)

    ctr = jnp.pad(
        jnp.repeat(new_xyz.reshape(_B * _S, 3), _K, axis=0),
        ((0, 0), (0, _CP - 3)))

    w1p = jnp.pad(W1.T, ((0, _CP - 3 - _C), (0, 0)))
    y1, st1 = _run_mlpA(g, ctr, w1p, b1.reshape(1, _C))
    z, st2 = _run_mlpB(y1, st1, g1.reshape(1, _C), be1.reshape(1, _C),
                       W2.T, b2.reshape(1, 2 * _C))
    out = _run_mlpC(z, st2, g2.reshape(1, 2 * _C), be2.reshape(1, 2 * _C))
    return (new_xyz, out.reshape(_B, _S, 2 * _C))

# --- scband reference (transcript-rebuilt; emitter-appended) ---
"""Pipeline reference for scband-salayer-33354716020952 (READ-ONLY COPY).

The authoritative reference and input builder live on the scoring server;
editing this copy changes nothing except your own understanding.
"""

import jax, jax.numpy as jnp
import numpy as np

NPOINT = 512
RADIUS = 0.2
NSAMPLE = 32


def setup_inputs(seed: int = 0) -> dict:
    key = jax.random.key(seed)
    ks = jax.random.split(key, 8)
    B, N, C = 4, 8192, 32
    xyz = jax.random.uniform(ks[0], (B, N, 3), dtype=jnp.float32)
    feat = jax.random.normal(ks[1], (B, N, C), dtype=jnp.float32)
    c_in = C + 3
    W1 = jax.random.normal(ks[2], (32, c_in), dtype=jnp.float32) * 0.1
    b1 = jnp.zeros((32,), dtype=jnp.float32)
    g1 = jnp.ones((32,), dtype=jnp.float32)
    be1 = jnp.zeros((32,), dtype=jnp.float32)
    W2 = jax.random.normal(ks[3], (64, 32), dtype=jnp.float32) * 0.1
    b2 = jnp.zeros((64,), dtype=jnp.float32)
    g2 = jnp.ones((64,), dtype=jnp.float32)
    be2 = jnp.zeros((64,), dtype=jnp.float32)
    return {"xyz": xyz, "feat": feat, "W1": W1, "b1": b1, "g1": g1, "be1": be1,
            "W2": W2, "b2": b2, "g2": g2, "be2": be2}


def _sqdist(a, b):
    a2 = (a ** 2).sum(-1)
    b2 = (b ** 2).sum(-1)
    d = a2[:, :, None] + b2[:, None, :] - 2.0 * jnp.einsum('bsd,bnd->bsn', a, b)
    return jnp.maximum(d, 0.0)


def fps(xyz, npoint):
    B, N, _ = xyz.shape
    farthest = jax.random.randint(jax.random.key(42), (B,), 0, N).astype(jnp.int32)
    dist = jnp.full((B, N), 1e10, dtype=xyz.dtype)
    cent = jnp.zeros((B, npoint), dtype=jnp.int32)

    def body(i, st):
        cent, dist, far = st
        cent = cent.at[:, i].set(far)
        c = xyz[jnp.arange(B), far][:, None, :]
        d = ((xyz - c) ** 2).sum(-1)
        dist = jnp.minimum(dist, d)
        far = jnp.argmax(dist, axis=-1).astype(jnp.int32)
        return (cent, dist, far)

    cent, _, _ = jax.lax.fori_loop(0, npoint, body, (cent, dist, farthest))
    return cent


def ball_query(radius, nsample, xyz, new_xyz):
    dist = jnp.sqrt(_sqdist(new_xyz, xyz))
    idx = jnp.argsort(dist, axis=-1)[:, :, :nsample]
    d_g = jnp.take_along_axis(dist, idx, axis=-1)
    mask = d_g > radius
    first = jnp.broadcast_to(idx[:, :, :1], idx.shape)
    return jnp.where(mask, first, idx)


def _mlp_block(x, W, b, g, be):
    # Conv2d(1x1) + BatchNorm2d(training stats) + ReLU, on channel-last layout [B,S,K,C]
    x = jnp.einsum('bskc,oc->bsko', x, W) + b
    mean = x.mean(axis=(0, 1, 2))
    var = x.var(axis=(0, 1, 2))
    x = (x - mean) / jnp.sqrt(var + 1e-5) * g + be
    return jax.nn.relu(x)


def reference(xyz, feat, W1, b1, g1, be1, W2, b2, g2, be2):
    B = xyz.shape[0]
    xyz_sg = jax.lax.stop_gradient(xyz)
    s_idx = fps(xyz_sg, NPOINT)
    new_xyz = xyz[jnp.arange(B)[:, None], s_idx]
    idx = ball_query(RADIUS, NSAMPLE, xyz_sg, jax.lax.stop_gradient(new_xyz))
    bidx = jnp.arange(B)[:, None, None]
    grouped_xyz = xyz[bidx, idx] - new_xyz[:, :, None, :]
    grouped_feat = feat[bidx, idx]
    grouped = jnp.concatenate([grouped_xyz, grouped_feat], axis=-1)
    x = _mlp_block(grouped, W1, b1, g1, be1)
    x = _mlp_block(x, W2, b2, g2, be2)
    x = x.max(axis=2)  # max over nsample -> [B, S, Cout]
    return (new_xyz, x)

if __name__ == "__main__":
    import jax
    _d = setup_inputs()
    print(jax.jit(kernel)(*tuple(_d.values())))

</pallas_src>

<mosaic_0001>
#map = affine_map<(d0, d1) -> (0, 0)>
#map1 = affine_map<(d0, d1) -> (0)>
module attributes {stable_mosaic.version = 14 : i64} {
  func.func @_sc_gather_body(%arg0: i32, %arg1: i32, %arg2: memref<32768x48xf32, #tpu.memory_space<hbm>>, %arg3: memref<65536xi32, #tpu.memory_space<hbm>>, %arg4: memref<65536x48xf32, #tpu.memory_space<hbm>>, %arg5: memref<128xi32, #tpu.memory_space<vmem>>, %arg6: memref<128x48xf32, #tpu.memory_space<vmem>>, %arg7: memref<!tpu.dma_semaphore, #tpu.memory_space<semaphore_mem>>) attributes {dimension_semantics = [#tpu.dimension_semantics<core_parallel>, #tpu.dimension_semantics<subcore_parallel>], iteration_bounds = array<i64: 2, 16>, scalar_prefetch = 0 : i64, scratch_operands = 3 : i64, tpu.core_type = #tpu.core_type<sc_vector_subcore>, window_params = [{transform_indices = #map}, {transform_indices = #map1}, {transform_indices = #map}]} {
    %mul3A = arith.constant 2 : i32
    %mul3A_0 = arith.muli %arg1, %mul3A : i32
    %add3A = arith.addi %mul3A_0, %arg0 : i32
    %scan3A = arith.constant 0 : i32
    %scan3A_1 = arith.constant 0 : i32
    %scan3A_2 = arith.constant 16 : i32
    %scan3A_3 = arith.addi %scan3A_1, %scan3A_2 : i32
    %scan3A_4 = arith.constant 1 : i32
    scf.for %scan3A_6 = %scan3A_1 to %scan3A_3 step %scan3A_4  : i32 {
      %mul3A_7 = arith.constant 16 : i32
      %mul3A_8 = arith.muli %add3A, %mul3A_7 : i32
      %add3A_9 = arith.addi %mul3A_8, %scan3A_6 : i32
      %mul3A_10 = arith.constant 128 : i32
      %mul3A_11 = arith.muli %add3A_9, %mul3A_10 : i32
      "tpu.region"() ({
        %run_scoped3A = tpu.sem_alloc : memref<!tpu.dma_semaphore, #tpu.memory_space<semaphore_mem>>
        %dma_start3A_16 = tpu.memref_slice %arg3[%mul3A_11] : memref<65536xi32, #tpu.memory_space<hbm>> -> memref<128xi32, #tpu.memory_space<hbm>>
        %dma_start3A_17 = tpu.memref_slice %arg3[%mul3A_11] : memref<65536xi32, #tpu.memory_space<hbm>> -> memref<128xi32, #tpu.memory_space<hbm>>
        tpu.enqueue_dma source(%dma_start3A_17 : memref<128xi32, #tpu.memory_space<hbm>>) target(%arg5 : memref<128xi32, #tpu.memory_space<vmem>>) target_semaphore(%run_scoped3A : memref<!tpu.dma_semaphore, #tpu.memory_space<semaphore_mem>>)
        %dma_wait3A_18 = tpu.memref_slice %arg3[%mul3A_11] : memref<65536xi32, #tpu.memory_space<hbm>> -> memref<128xi32, #tpu.memory_space<hbm>>
        %dma_wait3A_19 = tpu.memref_slice %arg3[%mul3A_11] : memref<65536xi32, #tpu.memory_space<hbm>> -> memref<128xi32, #tpu.memory_space<hbm>>
        tpu.wait_dma2 semaphore(%run_scoped3A : memref<!tpu.dma_semaphore, #tpu.memory_space<semaphore_mem>>) src(%dma_wait3A_19 : memref<128xi32, #tpu.memory_space<hbm>>) dst(%arg5 : memref<128xi32, #tpu.memory_space<vmem>>)
        tpu.yield
      }) : () -> ()
      %dma_start3A = arith.constant 0 : i32
      %dma_start3A_12 = arith.constant 0 : i32
      %dma_start3A_13 = tpu.memref_slice %arg2[%dma_start3A, %dma_start3A_12] : memref<32768x48xf32, #tpu.memory_space<hbm>> -> memref<32768x48xf32, #tpu.memory_space<hbm>>
      tpu.enqueue_indirect_dma source(%dma_start3A_13 : memref<32768x48xf32, #tpu.memory_space<hbm>>) target(%arg6 : memref<128x48xf32, #tpu.memory_space<vmem>>) offsets(%arg5 : memref<128xi32, #tpu.memory_space<vmem>>) semaphore(%arg7 : memref<!tpu.dma_semaphore, #tpu.memory_space<semaphore_mem>>)
      %dma_wait3A = arith.constant 0 : i32
      %dma_wait3A_14 = arith.constant 0 : i32
      %dma_wait3A_15 = tpu.memref_slice %arg2[%dma_wait3A, %dma_wait3A_14] : memref<32768x48xf32, #tpu.memory_space<hbm>> -> memref<32768x48xf32, #tpu.memory_space<hbm>>
      tpu.wait_indirect_dma semaphore(%arg7 : memref<!tpu.dma_semaphore, #tpu.memory_space<semaphore_mem>>) src(%dma_wait3A_15 : memref<32768x48xf32, #tpu.memory_space<hbm>>) dst(%arg6 : memref<128x48xf32, #tpu.memory_space<vmem>>)
      "tpu.region"() ({
        %run_scoped3A = tpu.sem_alloc : memref<!tpu.dma_semaphore, #tpu.memory_space<semaphore_mem>>
        %dma_start3A_16 = arith.constant 0 : i32
        %dma_start3A_17 = tpu.memref_slice %arg4[%mul3A_11, %dma_start3A_16] : memref<65536x48xf32, #tpu.memory_space<hbm>> -> memref<128x48xf32, #tpu.memory_space<hbm>>
        %dma_start3A_18 = arith.constant 0 : i32
        %dma_start3A_19 = tpu.memref_slice %arg4[%mul3A_11, %dma_start3A_18] : memref<65536x48xf32, #tpu.memory_space<hbm>> -> memref<128x48xf32, #tpu.memory_space<hbm>>
        tpu.enqueue_dma source(%arg6 : memref<128x48xf32, #tpu.memory_space<vmem>>) target(%dma_start3A_19 : memref<128x48xf32, #tpu.memory_space<hbm>>) target_semaphore(%run_scoped3A : memref<!tpu.dma_semaphore, #tpu.memory_space<semaphore_mem>>)
        %dma_wait3A_20 = arith.constant 0 : i32
        %dma_wait3A_21 = tpu.memref_slice %arg4[%mul3A_11, %dma_wait3A_20] : memref<65536x48xf32, #tpu.memory_space<hbm>> -> memref<128x48xf32, #tpu.memory_space<hbm>>
        %dma_wait3A_22 = arith.constant 0 : i32
        %dma_wait3A_23 = tpu.memref_slice %arg4[%mul3A_11, %dma_wait3A_22] : memref<65536x48xf32, #tpu.memory_space<hbm>> -> memref<128x48xf32, #tpu.memory_space<hbm>>
        tpu.wait_dma2 semaphore(%run_scoped3A : memref<!tpu.dma_semaphore, #tpu.memory_space<semaphore_mem>>) src(%arg6 : memref<128x48xf32, #tpu.memory_space<vmem>>) dst(%dma_wait3A_23 : memref<128x48xf32, #tpu.memory_space<hbm>>)
        tpu.yield
      }) : () -> ()
    }
    %scan3A_5 = arith.constant 16 : i32
    return
  }
}

module attributes {stable_mosaic.version = 14 : i64} {
  func.func @_fps_body(%arg0: memref<4x3x8192xf32, #tpu.memory_space<vmem>>, %arg1: memref<4x8192xf32, #tpu.memory_space<vmem>>, %arg2: memref<4x3x512xf32, #tpu.memory_space<vmem>>, %arg3: memref<4x8192xf32, #tpu.memory_space<vmem>>) attributes {dimension_semantics = [], scalar_prefetch = 0 : i64, scratch_operands = 1 : i64, tpu.core_type = #tpu.core_type<tc>} {
    %get3A = arith.constant 0 : index
    %get3A_0 = arith.constant 0 : index
    %get3A_1 = arith.constant 0 : index
    %get3A_2 = vector.load %arg0[%get3A, %get3A_0, %get3A_1] : memref<4x3x8192xf32, #tpu.memory_space<vmem>>, vector<4x1x8192xf32>
    %get3A_3 = vector.shape_cast %get3A_2 : vector<4x1x8192xf32> to vector<4x8192xf32>
    %get3A_4 = arith.constant 0 : index
    %get3A_5 = arith.constant 1 : index
    %get3A_6 = arith.constant 0 : index
    %get3A_7 = vector.load %arg0[%get3A_4, %get3A_5, %get3A_6] : memref<4x3x8192xf32, #tpu.memory_space<vmem>>, vector<4x1x8192xf32>
    %get3A_8 = vector.shape_cast %get3A_7 : vector<4x1x8192xf32> to vector<4x8192xf32>
    %get3A_9 = arith.constant 0 : index
    %get3A_10 = arith.constant 2 : index
    %get3A_11 = arith.constant 0 : index
    %get3A_12 = vector.load %arg0[%get3A_9, %get3A_10, %get3A_11] : memref<4x3x8192xf32, #tpu.memory_space<vmem>>, vector<4x1x8192xf32>
    %get3A_13 = vector.shape_cast %get3A_12 : vector<4x1x8192xf32> to vector<4x8192xf32>
    %iota3A = tpu.iota {dimensions = array<i32: 1>} : vector<4x8192xi32>
    %iota3A_14 = tpu.iota {dimensions = array<i32: 1>} : vector<4x512xi32>
    %get3A_15 = arith.constant 0 : index
    %get3A_16 = arith.constant 0 : index
    %get3A_17 = vector.load %arg1[%get3A_15, %get3A_16] : memref<4x8192xf32, #tpu.memory_space<vmem>>, vector<4x8192xf32>
    %gt3A = arith.constant 0.000000e+00 : f32
    %gt3A_18 = vector.broadcast %gt3A : f32 to vector<4x8192xf32>
    %gt3A_19 = arith.cmpf ogt, %get3A_17, %gt3A_18 : vector<4x8192xf32>
    %jit3A = arith.constant 8192 : i32
    %broadcast_in_dim3A = vector.broadcast %jit3A : i32 to vector<4x8192xi32>
    %select_n3A = arith.select %gt3A_19, %iota3A, %broadcast_in_dim3A : vector<4x8192xi1>, vector<4x8192xi32>
    %reduce_min3A = arith.constant dense<2147483647> : vector<4xi32>
    %reduce_min3A_20 = vector.multi_reduction <minsi>, %select_n3A, %reduce_min3A [1] : vector<4x8192xi32> to vector<4xi32>
    %broadcast_in_dim3A_21 = vector.shape_cast %reduce_min3A_20 : vector<4xi32> to vector<4x1xi32>
    %broadcast_in_dim3A_22 = arith.constant 1.000000e+10 : f32
    %broadcast_in_dim3A_23 = vector.broadcast %broadcast_in_dim3A_22 : f32 to vector<4x8192xf32>
    %swap3A = arith.constant 0 : index
    %swap3A_24 = arith.constant 0 : index
    %swap3A_25 = vector.load %arg3[%swap3A, %swap3A_24] : memref<4x8192xf32, #tpu.memory_space<vmem>>, vector<4x8192xf32>
    tpu.vector_store %arg3[%swap3A, %swap3A_24], %broadcast_in_dim3A_23 {strides = array<i32>} : memref<4x8192xf32, #tpu.memory_space<vmem>>, vector<4x8192xf32>,
    %broadcast_in_dim3A_26 = arith.constant 0.000000e+00 : f32
    %broadcast_in_dim3A_27 = vector.broadcast %broadcast_in_dim3A_26 : f32 to vector<4x512xf32>
    %scan3A = arith.constant 0 : i32
    %scan3A_28 = arith.constant 512 : i32
    %scan3A_29 = arith.addi %scan3A, %scan3A_28 : i32
    %scan3A_30 = arith.constant 1 : i32
    %scan3A_31:4 = scf.for %scan3A_51 = %scan3A to %scan3A_29 step %scan3A_30 iter_args(%scan3A_52 = %broadcast_in_dim3A_21, %scan3A_53 = %broadcast_in_dim3A_27, %scan3A_54 = %broadcast_in_dim3A_27, %scan3A_55 = %broadcast_in_dim3A_27) -> (vector<4x1xi32>, vector<4x512xf32>, vector<4x512xf32>, vector<4x512xf32>)  : i32 {
      %eq3A = vector.broadcast %scan3A_52 : vector<4x1xi32> to vector<4x8192xi32>
      %eq3A_56 = arith.cmpi eq, %iota3A, %eq3A : vector<4x8192xi32>
      %jit3A_57 = arith.constant 0.000000e+00 : f32
      %broadcast_in_dim3A_58 = vector.broadcast %jit3A_57 : f32 to vector<4x8192xf32>
      %select_n3A_59 = arith.select %eq3A_56, %get3A_3, %broadcast_in_dim3A_58 : vector<4x8192xi1>, vector<4x8192xf32>
      %reduce_sum3A = arith.constant dense<0.000000e+00> : vector<4xf32>
      %reduce_sum3A_60 = vector.multi_reduction <add>, %select_n3A_59, %reduce_sum3A [1] : vector<4x8192xf32> to vector<4xf32>
      %broadcast_in_dim3A_61 = vector.shape_cast %reduce_sum3A_60 : vector<4xf32> to vector<4x1xf32>
      %jit3A_62 = arith.constant 0.000000e+00 : f32
      %broadcast_in_dim3A_63 = vector.broadcast %jit3A_62 : f32 to vector<4x8192xf32>
      %select_n3A_64 = arith.select %eq3A_56, %get3A_8, %broadcast_in_dim3A_63 : vector<4x8192xi1>, vector<4x8192xf32>
      %reduce_sum3A_65 = arith.constant dense<0.000000e+00> : vector<4xf32>
      %reduce_sum3A_66 = vector.multi_reduction <add>, %select_n3A_64, %reduce_sum3A_65 [1] : vector<4x8192xf32> to vector<4xf32>
      %broadcast_in_dim3A_67 = vector.shape_cast %reduce_sum3A_66 : vector<4xf32> to vector<4x1xf32>
      %jit3A_68 = arith.constant 0.000000e+00 : f32
      %broadcast_in_dim3A_69 = vector.broadcast %jit3A_68 : f32 to vector<4x8192xf32>
      %select_n3A_70 = arith.select %eq3A_56, %get3A_13, %broadcast_in_dim3A_69 : vector<4x8192xi1>, vector<4x8192xf32>
      %reduce_sum3A_71 = arith.constant dense<0.000000e+00> : vector<4xf32>
      %reduce_sum3A_72 = vector.multi_reduction <add>, %select_n3A_70, %reduce_sum3A_71 [1] : vector<4x8192xf32> to vector<4xf32>
      %broadcast_in_dim3A_73 = vector.shape_cast %reduce_sum3A_72 : vector<4xf32> to vector<4x1xf32>
      %eq3A_74 = vector.broadcast %scan3A_51 : i32 to vector<4x512xi32>
      %eq3A_75 = arith.cmpi eq, %iota3A_14, %eq3A_74 : vector<4x512xi32>
      %broadcast_in_dim3A_76 = vector.shape_cast %broadcast_in_dim3A_61 : vector<4x1xf32> to vector<4x1xf32>
      %broadcast_in_dim3A_77 = vector.broadcast %broadcast_in_dim3A_76 : vector<4x1xf32> to vector<4x512xf32>
      %select_n3A_78 = arith.select %eq3A_75, %broadcast_in_dim3A_77, %scan3A_53 : vector<4x512xi1>, vector<4x512xf32>
      %broadcast_in_dim3A_79 = vector.shape_cast %broadcast_in_dim3A_67 : vector<4x1xf32> to vector<4x1xf32>
      %broadcast_in_dim3A_80 = vector.broadcast %broadcast_in_dim3A_79 : vector<4x1xf32> to vector<4x512xf32>
      %select_n3A_81 = arith.select %eq3A_75, %broadcast_in_dim3A_80, %scan3A_54 : vector<4x512xi1>, vector<4x512xf32>
      %broadcast_in_dim3A_82 = vector.shape_cast %broadcast_in_dim3A_73 : vector<4x1xf32> to vector<4x1xf32>
      %broadcast_in_dim3A_83 = vector.broadcast %broadcast_in_dim3A_82 : vector<4x1xf32> to vector<4x512xf32>
      %select_n3A_84 = arith.select %eq3A_75, %broadcast_in_dim3A_83, %scan3A_55 : vector<4x512xi1>, vector<4x512xf32>
      %sub3A = vector.broadcast %broadcast_in_dim3A_61 : vector<4x1xf32> to vector<4x8192xf32>
      %sub3A_85 = arith.subf %get3A_3, %sub3A : vector<4x8192xf32>
      %sub3A_86 = vector.broadcast %broadcast_in_dim3A_67 : vector<4x1xf32> to vector<4x8192xf32>
      %sub3A_87 = arith.subf %get3A_8, %sub3A_86 : vector<4x8192xf32>
      %sub3A_88 = vector.broadcast %broadcast_in_dim3A_73 : vector<4x1xf32> to vector<4x8192xf32>
      %sub3A_89 = arith.subf %get3A_13, %sub3A_88 : vector<4x8192xf32>
      %mul3A = arith.mulf %sub3A_85, %sub3A_85 : vector<4x8192xf32>
      %mul3A_90 = arith.mulf %sub3A_87, %sub3A_87 : vector<4x8192xf32>
      %add3A = arith.addf %mul3A, %mul3A_90 : vector<4x8192xf32>
      %mul3A_91 = arith.mulf %sub3A_89, %sub3A_89 : vector<4x8192xf32>
      %add3A_92 = arith.addf %add3A, %mul3A_91 : vector<4x8192xf32>
      %get3A_93 = arith.constant 0 : index
      %get3A_94 = arith.constant 0 : index
      %get3A_95 = vector.load %arg3[%get3A_93, %get3A_94] : memref<4x8192xf32, #tpu.memory_space<vmem>>, vector<4x8192xf32>
      %min3A = arith.minimumf %get3A_95, %add3A_92 : vector<4x8192xf32>
      %swap3A_96 = arith.constant 0 : index
      %swap3A_97 = arith.constant 0 : index
      %swap3A_98 = vector.load %arg3[%swap3A_96, %swap3A_97] : memref<4x8192xf32, #tpu.memory_space<vmem>>, vector<4x8192xf32>
      tpu.vector_store %arg3[%swap3A_96, %swap3A_97], %min3A {strides = array<i32>} : memref<4x8192xf32, #tpu.memory_space<vmem>>, vector<4x8192xf32>,
      %reduce_max3A = arith.constant dense<0xFF800000> : vector<4xf32>
      %reduce_max3A_99 = vector.multi_reduction <maximumf>, %min3A, %reduce_max3A [1] : vector<4x8192xf32> to vector<4xf32>
      %broadcast_in_dim3A_100 = vector.shape_cast %reduce_max3A_99 : vector<4xf32> to vector<4x1xf32>
      %eq3A_101 = vector.broadcast %broadcast_in_dim3A_100 : vector<4x1xf32> to vector<4x8192xf32>
      %eq3A_102 = arith.cmpf oeq, %min3A, %eq3A_101 : vector<4x8192xf32>
      %jit3A_103 = arith.constant 8192 : i32
      %broadcast_in_dim3A_104 = vector.broadcast %jit3A_103 : i32 to vector<4x8192xi32>
      %select_n3A_105 = arith.select %eq3A_102, %iota3A, %broadcast_in_dim3A_104 : vector<4x8192xi1>, vector<4x8192xi32>
      %reduce_min3A_106 = arith.constant dense<2147483647> : vector<4xi32>
      %reduce_min3A_107 = vector.multi_reduction <minsi>, %select_n3A_105, %reduce_min3A_106 [1] : vector<4x8192xi32> to vector<4xi32>
      %broadcast_in_dim3A_108 = vector.shape_cast %reduce_min3A_107 : vector<4xi32> to vector<4x1xi32>
      scf.yield %broadcast_in_dim3A_108, %select_n3A_78, %select_n3A_81, %select_n3A_84 : vector<4x1xi32>, vector<4x512xf32>, vector<4x512xf32>, vector<4x512xf32>
    }
    %scan3A_32 = arith.constant 512 : i32
    %swap3A_33 = arith.constant 0 : index
    %swap3A_34 = arith.constant 0 : index
    %swap3A_35 = arith.constant 0 : index
    %swap3A_36 = vector.load %arg2[%swap3A_33, %swap3A_34, %swap3A_35] : memref<4x3x512xf32, #tpu.memory_space<vmem>>, vector<4x1x512xf32>
    %swap3A_37 = vector.shape_cast %swap3A_36 : vector<4x1x512xf32> to vector<4x512xf32>
    %swap3A_38 = vector.shape_cast %scan3A_31#1 : vector<4x512xf32> to vector<4x1x512xf32>
    tpu.vector_store %arg2[%swap3A_33, %swap3A_34, %swap3A_35], %swap3A_38 {strides = array<i32>} : memref<4x3x512xf32, #tpu.memory_space<vmem>>, vector<4x1x512xf32>,
    %swap3A_39 = arith.constant 0 : index
    %swap3A_40 = arith.constant 1 : index
    %swap3A_41 = arith.constant 0 : index
    %swap3A_42 = vector.load %arg2[%swap3A_39, %swap3A_40, %swap3A_41] : memref<4x3x512xf32, #tpu.memory_space<vmem>>, vector<4x1x512xf32>
    %swap3A_43 = vector.shape_cast %swap3A_42 : vector<4x1x512xf32> to vector<4x512xf32>
    %swap3A_44 = vector.shape_cast %scan3A_31#2 : vector<4x512xf32> to vector<4x1x512xf32>
    tpu.vector_store %arg2[%swap3A_39, %swap3A_40, %swap3A_41], %swap3A_44 {strides = array<i32>} : memref<4x3x512xf32, #tpu.memory_space<vmem>>, vector<4x1x512xf32>,
    %swap3A_45 = arith.constant 0 : index
    %swap3A_46 = arith.constant 2 : index
    %swap3A_47 = arith.constant 0 : index
    %swap3A_48 = vector.load %arg2[%swap3A_45, %swap3A_46, %swap3A_47] : memref<4x3x512xf32, #tpu.memory_space<vmem>>, vector<4x1x512xf32>
    %swap3A_49 = vector.shape_cast %swap3A_48 : vector<4x1x512xf32> to vector<4x512xf32>
    %swap3A_50 = vector.shape_cast %scan3A_31#3 : vector<4x512xf32> to vector<4x1x512xf32>
    tpu.vector_store %arg2[%swap3A_45, %swap3A_46, %swap3A_47], %swap3A_50 {strides = array<i32>} : memref<4x3x512xf32, #tpu.memory_space<vmem>>, vector<4x1x512xf32>,
    return
  }
}

module attributes {stable_mosaic.version = 14 : i64} {
  func.func @_ball_body(%arg0: i32, %arg1: i32, %arg2: memref<1x3x8192xf32, #tpu.memory_space<vmem>>, %arg3: memref<1x128x3xf32, #tpu.memory_space<vmem>>, %arg4: memref<1x128x32xi32, #tpu.memory_space<vmem>>, %arg5: memref<128x8192xf32, #tpu.memory_space<vmem>>) attributes {dimension_semantics = [#tpu.dimension_semantics<arbitrary>, #tpu.dimension_semantics<arbitrary>], iteration_bounds = array<i64: 4, 4>, scalar_prefetch = 0 : i64, scratch_operands = 1 : i64, tpu.core_type = #tpu.core_type<tc>, window_params = [{transform_indices = @transform_0, window_bounds = array<i64: 1, 3, 8192>}, {transform_indices = @transform_1, window_bounds = array<i64: 1, 128, 3>}, {transform_indices = @transform_2, window_bounds = array<i64: 1, 128, 32>}]} {
    %get3A = arith.constant 0 : index
    %get3A_0 = arith.constant 0 : index
    %get3A_1 = arith.constant 0 : index
    %get3A_2 = vector.load %arg2[%get3A, %get3A_0, %get3A_1] : memref<1x3x8192xf32, #tpu.memory_space<vmem>>, vector<1x1x8192xf32>
    %get3A_3 = vector.shape_cast %get3A_2 : vector<1x1x8192xf32> to vector<1x8192xf32>
    %get3A_4 = arith.constant 0 : index
    %get3A_5 = arith.constant 1 : index
    %get3A_6 = arith.constant 0 : index
    %get3A_7 = vector.load %arg2[%get3A_4, %get3A_5, %get3A_6] : memref<1x3x8192xf32, #tpu.memory_space<vmem>>, vector<1x1x8192xf32>
    %get3A_8 = vector.shape_cast %get3A_7 : vector<1x1x8192xf32> to vector<1x8192xf32>
    %get3A_9 = arith.constant 0 : index
    %get3A_10 = arith.constant 2 : index
    %get3A_11 = arith.constant 0 : index
    %get3A_12 = vector.load %arg2[%get3A_9, %get3A_10, %get3A_11] : memref<1x3x8192xf32, #tpu.memory_space<vmem>>, vector<1x1x8192xf32>
    %get3A_13 = vector.shape_cast %get3A_12 : vector<1x1x8192xf32> to vector<1x8192xf32>
    %get3A_14 = arith.constant 0 : index
    %get3A_15 = arith.constant 0 : index
    %get3A_16 = arith.constant 0 : index
    %get3A_17 = vector.load %arg3[%get3A_14, %get3A_15, %get3A_16] : memref<1x128x3xf32, #tpu.memory_space<vmem>>, vector<1x128x3xf32>
    %get3A_18 = vector.shape_cast %get3A_17 : vector<1x128x3xf32> to vector<128x3xf32>
    %iota3A = tpu.iota {dimensions = array<i32: 1>} : vector<128x3xi32>
    %eq3A = arith.constant 0 : i32
    %eq3A_19 = vector.broadcast %eq3A : i32 to vector<128x3xi32>
    %eq3A_20 = arith.cmpi eq, %iota3A, %eq3A_19 : vector<128x3xi32>
    %jit3A = arith.constant 0.000000e+00 : f32
    %broadcast_in_dim3A = vector.broadcast %jit3A : f32 to vector<128x3xf32>
    %select_n3A = arith.select %eq3A_20, %get3A_18, %broadcast_in_dim3A : vector<128x3xi1>, vector<128x3xf32>
    %reduce_sum3A = arith.constant dense<0.000000e+00> : vector<128xf32>
    %reduce_sum3A_21 = vector.multi_reduction <add>, %select_n3A, %reduce_sum3A [1] : vector<128x3xf32> to vector<128xf32>
    %broadcast_in_dim3A_22 = vector.shape_cast %reduce_sum3A_21 : vector<128xf32> to vector<128x1xf32>
    %eq3A_23 = arith.constant 1 : i32
    %eq3A_24 = vector.broadcast %eq3A_23 : i32 to vector<128x3xi32>
    %eq3A_25 = arith.cmpi eq, %iota3A, %eq3A_24 : vector<128x3xi32>
    %jit3A_26 = arith.constant 0.000000e+00 : f32
    %broadcast_in_dim3A_27 = vector.broadcast %jit3A_26 : f32 to vector<128x3xf32>
    %select_n3A_28 = arith.select %eq3A_25, %get3A_18, %broadcast_in_dim3A_27 : vector<128x3xi1>, vector<128x3xf32>
    %reduce_sum3A_29 = arith.constant dense<0.000000e+00> : vector<128xf32>
    %reduce_sum3A_30 = vector.multi_reduction <add>, %select_n3A_28, %reduce_sum3A_29 [1] : vector<128x3xf32> to vector<128xf32>
    %broadcast_in_dim3A_31 = vector.shape_cast %reduce_sum3A_30 : vector<128xf32> to vector<128x1xf32>
    %eq3A_32 = arith.constant 2 : i32
    %eq3A_33 = vector.broadcast %eq3A_32 : i32 to vector<128x3xi32>
    %eq3A_34 = arith.cmpi eq, %iota3A, %eq3A_33 : vector<128x3xi32>
    %jit3A_35 = arith.constant 0.000000e+00 : f32
    %broadcast_in_dim3A_36 = vector.broadcast %jit3A_35 : f32 to vector<128x3xf32>
    %select_n3A_37 = arith.select %eq3A_34, %get3A_18, %broadcast_in_dim3A_36 : vector<128x3xi1>, vector<128x3xf32>
    %reduce_sum3A_38 = arith.constant dense<0.000000e+00> : vector<128xf32>
    %reduce_sum3A_39 = vector.multi_reduction <add>, %select_n3A_37, %reduce_sum3A_38 [1] : vector<128x3xf32> to vector<128xf32>
    %broadcast_in_dim3A_40 = vector.shape_cast %reduce_sum3A_39 : vector<128xf32> to vector<128x1xf32>
    %mul3A = arith.mulf %broadcast_in_dim3A_22, %broadcast_in_dim3A_22 : vector<128x1xf32>
    %mul3A_41 = arith.mulf %broadcast_in_dim3A_31, %broadcast_in_dim3A_31 : vector<128x1xf32>
    %add3A = arith.addf %mul3A, %mul3A_41 : vector<128x1xf32>
    %mul3A_42 = arith.mulf %broadcast_in_dim3A_40, %broadcast_in_dim3A_40 : vector<128x1xf32>
    %add3A_43 = arith.addf %add3A, %mul3A_42 : vector<128x1xf32>
    %mul3A_44 = arith.mulf %get3A_3, %get3A_3 : vector<1x8192xf32>
    %mul3A_45 = arith.mulf %get3A_8, %get3A_8 : vector<1x8192xf32>
    %add3A_46 = arith.addf %mul3A_44, %mul3A_45 : vector<1x8192xf32>
    %mul3A_47 = arith.mulf %get3A_13, %get3A_13 : vector<1x8192xf32>
    %add3A_48 = arith.addf %add3A_46, %mul3A_47 : vector<1x8192xf32>
    %convert_element_type3A = arith.truncf %broadcast_in_dim3A_22 : vector<128x1xf32> to vector<128x1xbf16>
    %convert_element_type3A_49 = arith.extf %convert_element_type3A : vector<128x1xbf16> to vector<128x1xf32>
    %convert_element_type3A_50 = arith.truncf %get3A_3 : vector<1x8192xf32> to vector<1x8192xbf16>
    %convert_element_type3A_51 = arith.extf %convert_element_type3A_50 : vector<1x8192xbf16> to vector<1x8192xf32>
    %mul3A_52 = vector.broadcast %convert_element_type3A_49 : vector<128x1xf32> to vector<128x8192xf32>
    %mul3A_53 = vector.broadcast %convert_element_type3A_51 : vector<1x8192xf32> to vector<128x8192xf32>
    %mul3A_54 = arith.mulf %mul3A_52, %mul3A_53 : vector<128x8192xf32>
    %convert_element_type3A_55 = arith.truncf %broadcast_in_dim3A_31 : vector<128x1xf32> to vector<128x1xbf16>
    %convert_element_type3A_56 = arith.extf %convert_element_type3A_55 : vector<128x1xbf16> to vector<128x1xf32>
    %convert_element_type3A_57 = arith.truncf %get3A_8 : vector<1x8192xf32> to vector<1x8192xbf16>
    %convert_element_type3A_58 = arith.extf %convert_element_type3A_57 : vector<1x8192xbf16> to vector<1x8192xf32>
    %mul3A_59 = vector.broadcast %convert_element_type3A_56 : vector<128x1xf32> to vector<128x8192xf32>
    %mul3A_60 = vector.broadcast %convert_element_type3A_58 : vector<1x8192xf32> to vector<128x8192xf32>
    %mul3A_61 = arith.mulf %mul3A_59, %mul3A_60 : vector<128x8192xf32>
    %convert_element_type3A_62 = arith.truncf %broadcast_in_dim3A_40 : vector<128x1xf32> to vector<128x1xbf16>
    %convert_element_type3A_63 = arith.extf %convert_element_type3A_62 : vector<128x1xbf16> to vector<128x1xf32>
    %convert_element_type3A_64 = arith.truncf %get3A_13 : vector<1x8192xf32> to vector<1x8192xbf16>
    %convert_element_type3A_65 = arith.extf %convert_element_type3A_64 : vector<1x8192xbf16> to vector<1x8192xf32>
    %mul3A_66 = vector.broadcast %convert_element_type3A_63 : vector<128x1xf32> to vector<128x8192xf32>
    %mul3A_67 = vector.broadcast %convert_element_type3A_65 : vector<1x8192xf32> to vector<128x8192xf32>
    %mul3A_68 = arith.mulf %mul3A_66, %mul3A_67 : vector<128x8192xf32>
    %add3A_69 = arith.addf %mul3A_54, %mul3A_61 : vector<128x8192xf32>
    %sub3A = arith.subf %add3A_69, %mul3A_61 : vector<128x8192xf32>
    %sub3A_70 = arith.subf %add3A_69, %sub3A : vector<128x8192xf32>
    %sub3A_71 = arith.subf %mul3A_54, %sub3A : vector<128x8192xf32>
    %sub3A_72 = arith.subf %mul3A_61, %sub3A_70 : vector<128x8192xf32>
    %add3A_73 = arith.addf %sub3A_71, %sub3A_72 : vector<128x8192xf32>
    %add3A_74 = arith.addf %add3A_69, %mul3A_68 : vector<128x8192xf32>
    %sub3A_75 = arith.subf %add3A_74, %mul3A_68 : vector<128x8192xf32>
    %sub3A_76 = arith.subf %add3A_74, %sub3A_75 : vector<128x8192xf32>
    %sub3A_77 = arith.subf %add3A_69, %sub3A_75 : vector<128x8192xf32>
    %sub3A_78 = arith.subf %mul3A_68, %sub3A_76 : vector<128x8192xf32>
    %add3A_79 = arith.addf %sub3A_77, %sub3A_78 : vector<128x8192xf32>
    %add3A_80 = arith.addf %add3A_73, %add3A_79 : vector<128x8192xf32>
    %add3A_81 = arith.addf %add3A_74, %add3A_80 : vector<128x8192xf32>
    %add3A_82 = vector.broadcast %add3A_43 : vector<128x1xf32> to vector<128x8192xf32>
    %add3A_83 = vector.broadcast %add3A_48 : vector<1x8192xf32> to vector<128x8192xf32>
    %add3A_84 = arith.addf %add3A_82, %add3A_83 : vector<128x8192xf32>
    %mul3A_85 = arith.constant 2.000000e+00 : f32
    %mul3A_86 = vector.broadcast %mul3A_85 : f32 to vector<128x8192xf32>
    %mul3A_87 = arith.mulf %mul3A_86, %add3A_81 : vector<128x8192xf32>
    %sub3A_88 = arith.subf %add3A_84, %mul3A_87 : vector<128x8192xf32>
    %max3A = arith.constant 0.000000e+00 : f32
    %max3A_89 = vector.broadcast %max3A : f32 to vector<128x8192xf32>
    %max3A_90 = arith.maximumf %sub3A_88, %max3A_89 : vector<128x8192xf32>
    %swap3A = arith.constant 0 : index
    %swap3A_91 = arith.constant 0 : index
    %swap3A_92 = vector.load %arg5[%swap3A, %swap3A_91] : memref<128x8192xf32, #tpu.memory_space<vmem>>, vector<128x8192xf32>
    tpu.vector_store %arg5[%swap3A, %swap3A_91], %max3A_90 {strides = array<i32>} : memref<128x8192xf32, #tpu.memory_space<vmem>>, vector<128x8192xf32>,
    %iota3A_93 = tpu.iota {dimensions = array<i32: 1>} : vector<128x8192xi32>
    %mul3A_94 = arith.constant 8192 : i32
    %mul3A_95 = arith.muli %arg0, %mul3A_94 : i32
    %add3A_96 = vector.broadcast %mul3A_95 : i32 to vector<128x8192xi32>
    %add3A_97 = arith.addi %iota3A_93, %add3A_96 : vector<128x8192xi32>
    %iota3A_98 = tpu.iota {dimensions = array<i32: 1>} : vector<128x32xi32>
    %broadcast_in_dim3A_99 = arith.constant 0 : i32
    %broadcast_in_dim3A_100 = vector.broadcast %broadcast_in_dim3A_99 : i32 to vector<128x32xi32>
    %broadcast_in_dim3A_101 = arith.constant 0 : i32
    %broadcast_in_dim3A_102 = vector.broadcast %broadcast_in_dim3A_101 : i32 to vector<128x1xi32>
    %scan3A = arith.constant 1073741824 : i32
    %scan3A_103 = arith.constant 0 : i32
    %scan3A_104 = arith.constant 32 : i32
    %scan3A_105 = arith.addi %scan3A_103, %scan3A_104 : i32
    %scan3A_106 = arith.constant 1 : i32
    %scan3A_107:2 = scf.for %scan3A_115 = %scan3A_103 to %scan3A_105 step %scan3A_106 iter_args(%scan3A_116 = %broadcast_in_dim3A_100, %scan3A_117 = %broadcast_in_dim3A_102) -> (vector<128x32xi32>, vector<128x1xi32>)  : i32 {
      %get3A_118 = arith.constant 0 : index
      %get3A_119 = arith.constant 0 : index
      %get3A_120 = vector.load %arg5[%get3A_118, %get3A_119] : memref<128x8192xf32, #tpu.memory_space<vmem>>, vector<128x8192xf32>
      %reduce_min3A = arith.constant dense<0x7F800000> : vector<128xf32>
      %reduce_min3A_121 = vector.multi_reduction <minimumf>, %get3A_120, %reduce_min3A [1] : vector<128x8192xf32> to vector<128xf32>
      %broadcast_in_dim3A_122 = vector.shape_cast %reduce_min3A_121 : vector<128xf32> to vector<128x1xf32>
      %eq3A_123 = vector.broadcast %broadcast_in_dim3A_122 : vector<128x1xf32> to vector<128x8192xf32>
      %eq3A_124 = arith.cmpf oeq, %get3A_120, %eq3A_123 : vector<128x8192xf32>
      %broadcast_in_dim3A_125 = vector.broadcast %scan3A : i32 to vector<128x8192xi32>
      %select_n3A_126 = arith.select %eq3A_124, %add3A_97, %broadcast_in_dim3A_125 : vector<128x8192xi1>, vector<128x8192xi32>
      %reduce_min3A_127 = arith.constant dense<2147483647> : vector<128xi32>
      %reduce_min3A_128 = vector.multi_reduction <minsi>, %select_n3A_126, %reduce_min3A_127 [1] : vector<128x8192xi32> to vector<128xi32>
      %broadcast_in_dim3A_129 = vector.shape_cast %reduce_min3A_128 : vector<128xi32> to vector<128x1xi32>
      %eq3A_130 = vector.broadcast %broadcast_in_dim3A_129 : vector<128x1xi32> to vector<128x8192xi32>
      %eq3A_131 = arith.cmpi eq, %add3A_97, %eq3A_130 : vector<128x8192xi32>
      %jit3A_132 = arith.constant 3.000000e+38 : f32
      %broadcast_in_dim3A_133 = vector.broadcast %jit3A_132 : f32 to vector<128x8192xf32>
      %select_n3A_134 = arith.select %eq3A_131, %broadcast_in_dim3A_133, %get3A_120 : vector<128x8192xi1>, vector<128x8192xf32>
      %swap3A_135 = arith.constant 0 : index
      %swap3A_136 = arith.constant 0 : index
      %swap3A_137 = vector.load %arg5[%swap3A_135, %swap3A_136] : memref<128x8192xf32, #tpu.memory_space<vmem>>, vector<128x8192xf32>
      tpu.vector_store %arg5[%swap3A_135, %swap3A_136], %select_n3A_134 {strides = array<i32>} : memref<128x8192xf32, #tpu.memory_space<vmem>>, vector<128x8192xf32>,
      %eq3A_138 = arith.constant 0 : i32
      %eq3A_139 = arith.cmpi eq, %scan3A_115, %eq3A_138 : i32
      %select_n3A_140 = arith.select %eq3A_139, %broadcast_in_dim3A_129, %scan3A_117 : vector<128x1xi32>
      %sqrt3A = math.sqrt %broadcast_in_dim3A_122 : vector<128x1xf32>
      %gt3A = arith.constant 2.000000e-01 : f32
      %gt3A_141 = vector.broadcast %gt3A : f32 to vector<128x1xf32>
      %gt3A_142 = arith.cmpf ogt, %sqrt3A, %gt3A_141 : vector<128x1xf32>
      %select_n3A_143 = arith.select %gt3A_142, %select_n3A_140, %broadcast_in_dim3A_129 : vector<128x1xi1>, vector<128x1xi32>
      %eq3A_144 = vector.broadcast %scan3A_115 : i32 to vector<128x32xi32>
      %eq3A_145 = arith.cmpi eq, %iota3A_98, %eq3A_144 : vector<128x32xi32>
      %broadcast_in_dim3A_146 = vector.shape_cast %select_n3A_143 : vector<128x1xi32> to vector<128x1xi32>
      %broadcast_in_dim3A_147 = vector.broadcast %broadcast_in_dim3A_146 : vector<128x1xi32> to vector<128x32xi32>
      %select_n3A_148 = arith.select %eq3A_145, %broadcast_in_dim3A_147, %scan3A_116 : vector<128x32xi1>, vector<128x32xi32>
      scf.yield %select_n3A_148, %select_n3A_140 : vector<128x32xi32>, vector<128x1xi32>
    }
    %scan3A_108 = arith.constant 32 : i32
    %swap3A_109 = arith.constant 0 : index
    %swap3A_110 = arith.constant 0 : index
    %swap3A_111 = arith.constant 0 : index
    %swap3A_112 = vector.load %arg4[%swap3A_109, %swap3A_110, %swap3A_111] : memref<1x128x32xi32, #tpu.memory_space<vmem>>, vector<1x128x32xi32>
    %swap3A_113 = vector.shape_cast %swap3A_112 : vector<1x128x32xi32> to vector<128x32xi32>
    %swap3A_114 = vector.shape_cast %scan3A_107#0 : vector<128x32xi32> to vector<1x128x32xi32>
    tpu.vector_store %arg4[%swap3A_109, %swap3A_110, %swap3A_111], %swap3A_114 {strides = array<i32>} : memref<1x128x32xi32, #tpu.memory_space<vmem>>, vector<1x128x32xi32>,
    return
  }
  func.func @transform_0(%arg0: i32, %arg1: i32) -> (i32, i32, i32) {
    %c0_i32 = arith.constant 0 : i32
    %c0_i32_0 = arith.constant 0 : i32
    %c0_i32_1 = arith.constant 0 : i32
    return %arg0, %c0_i32, %c0_i32_0 : i32, i32, i32
  }
  func.func @transform_1(%arg0: i32, %arg1: i32) -> (i32, i32, i32) {
    %c0_i32 = arith.constant 0 : i32
    %c0_i32_0 = arith.constant 0 : i32
    return %arg0, %arg1, %c0_i32 : i32, i32, i32
  }
  func.func @transform_2(%arg0: i32, %arg1: i32) -> (i32, i32, i32) {
    %c0_i32 = arith.constant 0 : i32
    %c0_i32_0 = arith.constant 0 : i32
    return %arg0, %arg1, %c0_i32 : i32, i32, i32
  }
}

module attributes {stable_mosaic.version = 14 : i64} {
  func.func @_mlpA_body(%arg0: i32, %arg1: memref<4096x48xf32, #tpu.memory_space<vmem>>, %arg2: memref<4096x48xf32, #tpu.memory_space<vmem>>, %arg3: memref<48x32xf32, #tpu.memory_space<vmem>>, %arg4: memref<1x32xf32, #tpu.memory_space<vmem>>, %arg5: memref<4096x32xf32, #tpu.memory_space<vmem>>, %arg6: memref<8x128xf32, #tpu.memory_space<vmem>>, %arg7: memref<8x128xf32, #tpu.memory_space<vmem>>) attributes {dimension_semantics = [#tpu.dimension_semantics<arbitrary>], iteration_bounds = array<i64: 16>, scalar_prefetch = 0 : i64, scratch_operands = 1 : i64, tpu.core_type = #tpu.core_type<tc>, window_params = [{transform_indices = @transform_0, window_bounds = array<i64: 4096, 48>}, {transform_indices = @transform_1, window_bounds = array<i64: 4096, 48>}, {pipeline_mode = #tpu.pipeline_mode<synchronous>, transform_indices = @transform_2, window_bounds = array<i64: 48, 32>}, {pipeline_mode = #tpu.pipeline_mode<synchronous>, transform_indices = @transform_3, window_bounds = array<i64: 1, 32>}, {transform_indices = @transform_4, window_bounds = array<i64: 4096, 32>}, {pipeline_mode = #tpu.pipeline_mode<synchronous>, transform_indices = @transform_5, window_bounds = array<i64: 8, 128>}]} {
    %eq3A = arith.constant 0 : i32
    %eq3A_0 = arith.cmpi eq, %arg0, %eq3A : i32
    %convert_element_type3A = arith.extui %eq3A_0 : i1 to i32
    %cond3A = arith.constant 0 : i32
    %cond3A_1 = arith.cmpi ne, %convert_element_type3A, %cond3A : i32
    scf.if %cond3A_1 {
      %broadcast_in_dim3A_40 = arith.constant 0.000000e+00 : f32
      %broadcast_in_dim3A_41 = vector.broadcast %broadcast_in_dim3A_40 : f32 to vector<8x128xf32>
      %swap3A_42 = arith.constant 0 : index
      %swap3A_43 = arith.constant 0 : index
      %swap3A_44 = vector.load %arg7[%swap3A_42, %swap3A_43] : memref<8x128xf32, #tpu.memory_space<vmem>>, vector<8x128xf32>
      tpu.vector_store %arg7[%swap3A_42, %swap3A_43], %broadcast_in_dim3A_41 {strides = array<i32>} : memref<8x128xf32, #tpu.memory_space<vmem>>, vector<8x128xf32>,
    } else {
    }
    %get3A = arith.constant 0 : index
    %get3A_2 = arith.constant 0 : index
    %get3A_3 = vector.load %arg1[%get3A, %get3A_2] : memref<4096x48xf32, #tpu.memory_space<vmem>>, vector<4096x48xf32>
    %get3A_4 = arith.constant 0 : index
    %get3A_5 = arith.constant 0 : index
    %get3A_6 = vector.load %arg2[%get3A_4, %get3A_5] : memref<4096x48xf32, #tpu.memory_space<vmem>>, vector<4096x48xf32>
    %sub3A = arith.subf %get3A_3, %get3A_6 : vector<4096x48xf32>
    %get3A_7 = arith.constant 0 : index
    %get3A_8 = arith.constant 0 : index
    %get3A_9 = vector.load %arg3[%get3A_7, %get3A_8] : memref<48x32xf32, #tpu.memory_space<vmem>>, vector<48x32xf32>
    %dot_general3A = arith.constant dense<0.000000e+00> : vector<4096x32xf32>
    %dot_general3A_10 = tpu.matmul %sub3A, %get3A_9, %dot_general3A {dimension_numbers = #tpu.dot_dimension_numbers<[1], [0], [0], [1], [0, 0, 1, 1], [], []>, precision = #tpu.contract_precision<fp32>, transpose_lhs_hint = false} : vector<4096x48xf32>, vector<48x32xf32>, vector<4096x32xf32> -> vector<4096x32xf32>
    %get3A_11 = arith.constant 0 : index
    %get3A_12 = arith.constant 0 : index
    %get3A_13 = vector.load %arg4[%get3A_11, %get3A_12] : memref<1x32xf32, #tpu.memory_space<vmem>>, vector<1x32xf32>
    %add3A = vector.broadcast %get3A_13 : vector<1x32xf32> to vector<4096x32xf32>
    %add3A_14 = arith.addf %dot_general3A_10, %add3A : vector<4096x32xf32>
    %swap3A = arith.constant 0 : index
    %swap3A_15 = arith.constant 0 : index
    %swap3A_16 = vector.load %arg5[%swap3A, %swap3A_15] : memref<4096x32xf32, #tpu.memory_space<vmem>>, vector<4096x32xf32>
    tpu.vector_store %arg5[%swap3A, %swap3A_15], %add3A_14 {strides = array<i32>} : memref<4096x32xf32, #tpu.memory_space<vmem>>, vector<4096x32xf32>,
    %get3A_17 = arith.constant 0 : index
    %get3A_18 = arith.constant 0 : index
    %get3A_19 = vector.load %arg7[%get3A_17, %get3A_18] : memref<8x128xf32, #tpu.memory_space<vmem>>, vector<1x32xf32>
    %reduce_sum3A = arith.constant dense<0.000000e+00> : vector<32xf32>
    %reduce_sum3A_20 = vector.multi_reduction <add>, %add3A_14, %reduce_sum3A [0] : vector<4096x32xf32> to vector<32xf32>
    %broadcast_in_dim3A = vector.shape_cast %reduce_sum3A_20 : vector<32xf32> to vector<1x32xf32>
    %add3A_21 = arith.addf %get3A_19, %broadcast_in_dim3A : vector<1x32xf32>
    %swap3A_22 = arith.constant 0 : index
    %swap3A_23 = arith.constant 0 : index
    %swap3A_24 = vector.load %arg7[%swap3A_22, %swap3A_23] : memref<8x128xf32, #tpu.memory_space<vmem>>, vector<1x32xf32>
    tpu.vector_store %arg7[%swap3A_22, %swap3A_23], %add3A_21 {strides = array<i32>} : memref<8x128xf32, #tpu.memory_space<vmem>>, vector<1x32xf32>,
    %get3A_25 = arith.constant 1 : index
    %get3A_26 = arith.constant 0 : index
    %get3A_27 = vector.load %arg7[%get3A_25, %get3A_26] : memref<8x128xf32, #tpu.memory_space<vmem>>, vector<1x32xf32>
    %mul3A = arith.mulf %add3A_14, %add3A_14 : vector<4096x32xf32>
    %reduce_sum3A_28 = arith.constant dense<0.000000e+00> : vector<32xf32>
    %reduce_sum3A_29 = vector.multi_reduction <add>, %mul3A, %reduce_sum3A_28 [0] : vector<4096x32xf32> to vector<32xf32>
    %broadcast_in_dim3A_30 = vector.shape_cast %reduce_sum3A_29 : vector<32xf32> to vector<1x32xf32>
    %add3A_31 = arith.addf %get3A_27, %broadcast_in_dim3A_30 : vector<1x32xf32>
    %swap3A_32 = arith.constant 1 : index
    %swap3A_33 = arith.constant 0 : index
    %swap3A_34 = vector.load %arg7[%swap3A_32, %swap3A_33] : memref<8x128xf32, #tpu.memory_space<vmem>>, vector<1x32xf32>
    tpu.vector_store %arg7[%swap3A_32, %swap3A_33], %add3A_31 {strides = array<i32>} : memref<8x128xf32, #tpu.memory_space<vmem>>, vector<1x32xf32>,
    %eq3A_35 = arith.constant 15 : i32
    %eq3A_36 = arith.cmpi eq, %arg0, %eq3A_35 : i32
    %convert_element_type3A_37 = arith.extui %eq3A_36 : i1 to i32
    %cond3A_38 = arith.constant 0 : i32
    %cond3A_39 = arith.cmpi ne, %convert_element_type3A_37, %cond3A_38 : i32
    scf.if %cond3A_39 {
      %get3A_40 = arith.constant 0 : index
      %get3A_41 = arith.constant 0 : index
      %get3A_42 = vector.load %arg7[%get3A_40, %get3A_41] : memref<8x128xf32, #tpu.memory_space<vmem>>, vector<8x128xf32>
      %swap3A_43 = arith.constant 0 : index
      %swap3A_44 = arith.constant 0 : index
      %swap3A_45 = vector.load %arg6[%swap3A_43, %swap3A_44] : memref<8x128xf32, #tpu.memory_space<vmem>>, vector<8x128xf32>
      tpu.vector_store %arg6[%swap3A_43, %swap3A_44], %get3A_42 {strides = array<i32>} : memref<8x128xf32, #tpu.memory_space<vmem>>, vector<8x128xf32>,
    } else {
    }
    return
  }
  func.func @transform_0(%arg0: i32) -> (i32, i32) {
    %c0_i32 = arith.constant 0 : i32
    %c0_i32_0 = arith.constant 0 : i32
    return %arg0, %c0_i32 : i32, i32
  }
  func.func @transform_1(%arg0: i32) -> (i32, i32) {
    %c0_i32 = arith.constant 0 : i32
    %c0_i32_0 = arith.constant 0 : i32
    return %arg0, %c0_i32 : i32, i32
  }
  func.func @transform_2(%arg0: i32) -> (i32, i32) {
    %c0_i32 = arith.constant 0 : i32
    %c0_i32_0 = arith.constant 0 : i32
    %c0_i32_1 = arith.constant 0 : i32
    return %c0_i32, %c0_i32_0 : i32, i32
  }
  func.func @transform_3(%arg0: i32) -> (i32, i32) {
    %c0_i32 = arith.constant 0 : i32
    %c0_i32_0 = arith.constant 0 : i32
    %c0_i32_1 = arith.constant 0 : i32
    return %c0_i32, %c0_i32_0 : i32, i32
  }
  func.func @transform_4(%arg0: i32) -> (i32, i32) {
    %c0_i32 = arith.constant 0 : i32
    %c0_i32_0 = arith.constant 0 : i32
    return %arg0, %c0_i32 : i32, i32
  }
  func.func @transform_5(%arg0: i32) -> (i32, i32) {
    %c0_i32 = arith.constant 0 : i32
    %c0_i32_0 = arith.constant 0 : i32
    %c0_i32_1 = arith.constant 0 : i32
    return %c0_i32, %c0_i32_0 : i32, i32
  }
}

module attributes {stable_mosaic.version = 14 : i64} {
  func.func @_mlpB_body(%arg0: i32, %arg1: memref<4096x32xf32, #tpu.memory_space<vmem>>, %arg2: memref<8x128xf32, #tpu.memory_space<vmem>>, %arg3: memref<1x32xf32, #tpu.memory_space<vmem>>, %arg4: memref<1x32xf32, #tpu.memory_space<vmem>>, %arg5: memref<32x64xf32, #tpu.memory_space<vmem>>, %arg6: memref<1x64xf32, #tpu.memory_space<vmem>>, %arg7: memref<4096x64xf32, #tpu.memory_space<vmem>>, %arg8: memref<8x128xf32, #tpu.memory_space<vmem>>, %arg9: memref<8x128xf32, #tpu.memory_space<vmem>>) attributes {dimension_semantics = [#tpu.dimension_semantics<arbitrary>], iteration_bounds = array<i64: 16>, scalar_prefetch = 0 : i64, scratch_operands = 1 : i64, tpu.core_type = #tpu.core_type<tc>, window_params = [{transform_indices = @transform_0, window_bounds = array<i64: 4096, 32>}, {pipeline_mode = #tpu.pipeline_mode<synchronous>, transform_indices = @transform_1, window_bounds = array<i64: 8, 128>}, {pipeline_mode = #tpu.pipeline_mode<synchronous>, transform_indices = @transform_2, window_bounds = array<i64: 1, 32>}, {pipeline_mode = #tpu.pipeline_mode<synchronous>, transform_indices = @transform_3, window_bounds = array<i64: 1, 32>}, {pipeline_mode = #tpu.pipeline_mode<synchronous>, transform_indices = @transform_4, window_bounds = array<i64: 32, 64>}, {pipeline_mode = #tpu.pipeline_mode<synchronous>, transform_indices = @transform_5, window_bounds = array<i64: 1, 64>}, {transform_indices = @transform_6, window_bounds = array<i64: 4096, 64>}, {pipeline_mode = #tpu.pipeline_mode<synchronous>, transform_indices = @transform_7, window_bounds = array<i64: 8, 128>}]} {
    %eq3A = arith.constant 0 : i32
    %eq3A_0 = arith.cmpi eq, %arg0, %eq3A : i32
    %convert_element_type3A = arith.extui %eq3A_0 : i1 to i32
    %cond3A = arith.constant 0 : i32
    %cond3A_1 = arith.cmpi ne, %convert_element_type3A, %cond3A : i32
    scf.if %cond3A_1 {
      %broadcast_in_dim3A_68 = arith.constant 0.000000e+00 : f32
      %broadcast_in_dim3A_69 = vector.broadcast %broadcast_in_dim3A_68 : f32 to vector<8x128xf32>
      %swap3A_70 = arith.constant 0 : index
      %swap3A_71 = arith.constant 0 : index
      %swap3A_72 = vector.load %arg9[%swap3A_70, %swap3A_71] : memref<8x128xf32, #tpu.memory_space<vmem>>, vector<8x128xf32>
      tpu.vector_store %arg9[%swap3A_70, %swap3A_71], %broadcast_in_dim3A_69 {strides = array<i32>} : memref<8x128xf32, #tpu.memory_space<vmem>>, vector<8x128xf32>,
    } else {
    }
    %get3A = arith.constant 0 : index
    %get3A_2 = arith.constant 0 : index
    %get3A_3 = vector.load %arg2[%get3A, %get3A_2] : memref<8x128xf32, #tpu.memory_space<vmem>>, vector<1x32xf32>
    %div3A = arith.constant 6.553600e+04 : f32
    %div3A_4 = vector.broadcast %div3A : f32 to vector<1x32xf32>
    %div3A_5 = arith.divf %get3A_3, %div3A_4 : vector<1x32xf32>
    %get3A_6 = arith.constant 1 : index
    %get3A_7 = arith.constant 0 : index
    %get3A_8 = vector.load %arg2[%get3A_6, %get3A_7] : memref<8x128xf32, #tpu.memory_space<vmem>>, vector<1x32xf32>
    %div3A_9 = arith.constant 6.553600e+04 : f32
    %div3A_10 = vector.broadcast %div3A_9 : f32 to vector<1x32xf32>
    %div3A_11 = arith.divf %get3A_8, %div3A_10 : vector<1x32xf32>
    %mul3A = arith.mulf %div3A_5, %div3A_5 : vector<1x32xf32>
    %sub3A = arith.subf %div3A_11, %mul3A : vector<1x32xf32>
    %get3A_12 = arith.constant 0 : index
    %get3A_13 = arith.constant 0 : index
    %get3A_14 = vector.load %arg1[%get3A_12, %get3A_13] : memref<4096x32xf32, #tpu.memory_space<vmem>>, vector<4096x32xf32>
    %sub3A_15 = vector.broadcast %div3A_5 : vector<1x32xf32> to vector<4096x32xf32>
    %sub3A_16 = arith.subf %get3A_14, %sub3A_15 : vector<4096x32xf32>
    %add3A = arith.constant 9.99999974E-6 : f32
    %add3A_17 = vector.broadcast %add3A : f32 to vector<1x32xf32>
    %add3A_18 = arith.addf %sub3A, %add3A_17 : vector<1x32xf32>
    %sqrt3A = math.sqrt %add3A_18 : vector<1x32xf32>
    %div3A_19 = vector.broadcast %sqrt3A : vector<1x32xf32> to vector<4096x32xf32>
    %div3A_20 = arith.divf %sub3A_16, %div3A_19 : vector<4096x32xf32>
    %get3A_21 = arith.constant 0 : index
    %get3A_22 = arith.constant 0 : index
    %get3A_23 = vector.load %arg3[%get3A_21, %get3A_22] : memref<1x32xf32, #tpu.memory_space<vmem>>, vector<1x32xf32>
    %mul3A_24 = vector.broadcast %get3A_23 : vector<1x32xf32> to vector<4096x32xf32>
    %mul3A_25 = arith.mulf %div3A_20, %mul3A_24 : vector<4096x32xf32>
    %get3A_26 = arith.constant 0 : index
    %get3A_27 = arith.constant 0 : index
    %get3A_28 = vector.load %arg4[%get3A_26, %get3A_27] : memref<1x32xf32, #tpu.memory_space<vmem>>, vector<1x32xf32>
    %add3A_29 = vector.broadcast %get3A_28 : vector<1x32xf32> to vector<4096x32xf32>
    %add3A_30 = arith.addf %mul3A_25, %add3A_29 : vector<4096x32xf32>
    %max3A = arith.constant 0.000000e+00 : f32
    %max3A_31 = vector.broadcast %max3A : f32 to vector<4096x32xf32>
    %max3A_32 = arith.maximumf %add3A_30, %max3A_31 : vector<4096x32xf32>
    %get3A_33 = arith.constant 0 : index
    %get3A_34 = arith.constant 0 : index
    %get3A_35 = vector.load %arg5[%get3A_33, %get3A_34] : memref<32x64xf32, #tpu.memory_space<vmem>>, vector<32x64xf32>
    %dot_general3A = arith.constant dense<0.000000e+00> : vector<4096x64xf32>
    %dot_general3A_36 = tpu.matmul %max3A_32, %get3A_35, %dot_general3A {dimension_numbers = #tpu.dot_dimension_numbers<[1], [0], [0], [1], [0, 0, 1, 1], [], []>, precision = #tpu.contract_precision<fp32>, transpose_lhs_hint = false} : vector<4096x32xf32>, vector<32x64xf32>, vector<4096x64xf32> -> vector<4096x64xf32>
    %get3A_37 = arith.constant 0 : index
    %get3A_38 = arith.constant 0 : index
    %get3A_39 = vector.load %arg6[%get3A_37, %get3A_38] : memref<1x64xf32, #tpu.memory_space<vmem>>, vector<1x64xf32>
    %add3A_40 = vector.broadcast %get3A_39 : vector<1x64xf32> to vector<4096x64xf32>
    %add3A_41 = arith.addf %dot_general3A_36, %add3A_40 : vector<4096x64xf32>
    %swap3A = arith.constant 0 : index
    %swap3A_42 = arith.constant 0 : index
    %swap3A_43 = vector.load %arg7[%swap3A, %swap3A_42] : memref<4096x64xf32, #tpu.memory_space<vmem>>, vector<4096x64xf32>
    tpu.vector_store %arg7[%swap3A, %swap3A_42], %add3A_41 {strides = array<i32>} : memref<4096x64xf32, #tpu.memory_space<vmem>>, vector<4096x64xf32>,
    %get3A_44 = arith.constant 0 : index
    %get3A_45 = arith.constant 0 : index
    %get3A_46 = vector.load %arg9[%get3A_44, %get3A_45] : memref<8x128xf32, #tpu.memory_space<vmem>>, vector<1x64xf32>
    %reduce_sum3A = arith.constant dense<0.000000e+00> : vector<64xf32>
    %reduce_sum3A_47 = vector.multi_reduction <add>, %add3A_41, %reduce_sum3A [0] : vector<4096x64xf32> to vector<64xf32>
    %broadcast_in_dim3A = vector.shape_cast %reduce_sum3A_47 : vector<64xf32> to vector<1x64xf32>
    %add3A_48 = arith.addf %get3A_46, %broadcast_in_dim3A : vector<1x64xf32>
    %swap3A_49 = arith.constant 0 : index
    %swap3A_50 = arith.constant 0 : index
    %swap3A_51 = vector.load %arg9[%swap3A_49, %swap3A_50] : memref<8x128xf32, #tpu.memory_space<vmem>>, vector<1x64xf32>
    tpu.vector_store %arg9[%swap3A_49, %swap3A_50], %add3A_48 {strides = array<i32>} : memref<8x128xf32, #tpu.memory_space<vmem>>, vector<1x64xf32>,
    %get3A_52 = arith.constant 1 : index
    %get3A_53 = arith.constant 0 : index
    %get3A_54 = vector.load %arg9[%get3A_52, %get3A_53] : memref<8x128xf32, #tpu.memory_space<vmem>>, vector<1x64xf32>
    %mul3A_55 = arith.mulf %add3A_41, %add3A_41 : vector<4096x64xf32>
    %reduce_sum3A_56 = arith.constant dense<0.000000e+00> : vector<64xf32>
    %reduce_sum3A_57 = vector.multi_reduction <add>, %mul3A_55, %reduce_sum3A_56 [0] : vector<4096x64xf32> to vector<64xf32>
    %broadcast_in_dim3A_58 = vector.shape_cast %reduce_sum3A_57 : vector<64xf32> to vector<1x64xf32>
    %add3A_59 = arith.addf %get3A_54, %broadcast_in_dim3A_58 : vector<1x64xf32>
    %swap3A_60 = arith.constant 1 : index
    %swap3A_61 = arith.constant 0 : index
    %swap3A_62 = vector.load %arg9[%swap3A_60, %swap3A_61] : memref<8x128xf32, #tpu.memory_space<vmem>>, vector<1x64xf32>
    tpu.vector_store %arg9[%swap3A_60, %swap3A_61], %add3A_59 {strides = array<i32>} : memref<8x128xf32, #tpu.memory_space<vmem>>, vector<1x64xf32>,
    %eq3A_63 = arith.constant 15 : i32
    %eq3A_64 = arith.cmpi eq, %arg0, %eq3A_63 : i32
    %convert_element_type3A_65 = arith.extui %eq3A_64 : i1 to i32
    %cond3A_66 = arith.constant 0 : i32
    %cond3A_67 = arith.cmpi ne, %convert_element_type3A_65, %cond3A_66 : i32
    scf.if %cond3A_67 {
      %get3A_68 = arith.constant 0 : index
      %get3A_69 = arith.constant 0 : index
      %get3A_70 = vector.load %arg9[%get3A_68, %get3A_69] : memref<8x128xf32, #tpu.memory_space<vmem>>, vector<8x128xf32>
      %swap3A_71 = arith.constant 0 : index
      %swap3A_72 = arith.constant 0 : index
      %swap3A_73 = vector.load %arg8[%swap3A_71, %swap3A_72] : memref<8x128xf32, #tpu.memory_space<vmem>>, vector<8x128xf32>
      tpu.vector_store %arg8[%swap3A_71, %swap3A_72], %get3A_70 {strides = array<i32>} : memref<8x128xf32, #tpu.memory_space<vmem>>, vector<8x128xf32>,
    } else {
    }
    return
  }
  func.func @transform_0(%arg0: i32) -> (i32, i32) {
    %c0_i32 = arith.constant 0 : i32
    %c0_i32_0 = arith.constant 0 : i32
    return %arg0, %c0_i32 : i32, i32
  }
  func.func @transform_1(%arg0: i32) -> (i32, i32) {
    %c0_i32 = arith.constant 0 : i32
    %c0_i32_0 = arith.constant 0 : i32
    %c0_i32_1 = arith.constant 0 : i32
    return %c0_i32, %c0_i32_0 : i32, i32
  }
  func.func @transform_2(%arg0: i32) -> (i32, i32) {
    %c0_i32 = arith.constant 0 : i32
    %c0_i32_0 = arith.constant 0 : i32
    %c0_i32_1 = arith.constant 0 : i32
    return %c0_i32, %c0_i32_0 : i32, i32
  }
  func.func @transform_3(%arg0: i32) -> (i32, i32) {
    %c0_i32 = arith.constant 0 : i32
    %c0_i32_0 = arith.constant 0 : i32
    %c0_i32_1 = arith.constant 0 : i32
    return %c0_i32, %c0_i32_0 : i32, i32
  }
  func.func @transform_4(%arg0: i32) -> (i32, i32) {
    %c0_i32 = arith.constant 0 : i32
    %c0_i32_0 = arith.constant 0 : i32
    %c0_i32_1 = arith.constant 0 : i32
    return %c0_i32, %c0_i32_0 : i32, i32
  }
  func.func @transform_5(%arg0: i32) -> (i32, i32) {
    %c0_i32 = arith.constant 0 : i32
    %c0_i32_0 = arith.constant 0 : i32
    %c0_i32_1 = arith.constant 0 : i32
    return %c0_i32, %c0_i32_0 : i32, i32
  }
  func.func @transform_6(%arg0: i32) -> (i32, i32) {
    %c0_i32 = arith.constant 0 : i32
    %c0_i32_0 = arith.constant 0 : i32
    return %arg0, %c0_i32 : i32, i32
  }
  func.func @transform_7(%arg0: i32) -> (i32, i32) {
    %c0_i32 = arith.constant 0 : i32
    %c0_i32_0 = arith.constant 0 : i32
    %c0_i32_1 = arith.constant 0 : i32
    return %c0_i32, %c0_i32_0 : i32, i32
  }
}

module attributes {stable_mosaic.version = 14 : i64} {
  func.func @_mlpC_body(%arg0: i32, %arg1: memref<4096x64xf32, #tpu.memory_space<vmem>>, %arg2: memref<8x128xf32, #tpu.memory_space<vmem>>, %arg3: memref<1x64xf32, #tpu.memory_space<vmem>>, %arg4: memref<1x64xf32, #tpu.memory_space<vmem>>, %arg5: memref<128x64xf32, #tpu.memory_space<vmem>>) attributes {dimension_semantics = [#tpu.dimension_semantics<arbitrary>], iteration_bounds = array<i64: 16>, scalar_prefetch = 0 : i64, scratch_operands = 0 : i64, tpu.core_type = #tpu.core_type<tc>, window_params = [{transform_indices = @transform_0, window_bounds = array<i64: 4096, 64>}, {pipeline_mode = #tpu.pipeline_mode<synchronous>, transform_indices = @transform_1, window_bounds = array<i64: 8, 128>}, {pipeline_mode = #tpu.pipeline_mode<synchronous>, transform_indices = @transform_2, window_bounds = array<i64: 1, 64>}, {pipeline_mode = #tpu.pipeline_mode<synchronous>, transform_indices = @transform_3, window_bounds = array<i64: 1, 64>}, {transform_indices = @transform_4, window_bounds = array<i64: 128, 64>}]} {
    %get3A = arith.constant 0 : index
    %get3A_0 = arith.constant 0 : index
    %get3A_1 = vector.load %arg2[%get3A, %get3A_0] : memref<8x128xf32, #tpu.memory_space<vmem>>, vector<1x64xf32>
    %div3A = arith.constant 6.553600e+04 : f32
    %div3A_2 = vector.broadcast %div3A : f32 to vector<1x64xf32>
    %div3A_3 = arith.divf %get3A_1, %div3A_2 : vector<1x64xf32>
    %get3A_4 = arith.constant 1 : index
    %get3A_5 = arith.constant 0 : index
    %get3A_6 = vector.load %arg2[%get3A_4, %get3A_5] : memref<8x128xf32, #tpu.memory_space<vmem>>, vector<1x64xf32>
    %div3A_7 = arith.constant 6.553600e+04 : f32
    %div3A_8 = vector.broadcast %div3A_7 : f32 to vector<1x64xf32>
    %div3A_9 = arith.divf %get3A_6, %div3A_8 : vector<1x64xf32>
    %mul3A = arith.mulf %div3A_3, %div3A_3 : vector<1x64xf32>
    %sub3A = arith.subf %div3A_9, %mul3A : vector<1x64xf32>
    %get3A_10 = arith.constant 0 : index
    %get3A_11 = arith.constant 0 : index
    %get3A_12 = vector.load %arg1[%get3A_10, %get3A_11] : memref<4096x64xf32, #tpu.memory_space<vmem>>, vector<4096x64xf32>
    %sub3A_13 = vector.broadcast %div3A_3 : vector<1x64xf32> to vector<4096x64xf32>
    %sub3A_14 = arith.subf %get3A_12, %sub3A_13 : vector<4096x64xf32>
    %add3A = arith.constant 9.99999974E-6 : f32
    %add3A_15 = vector.broadcast %add3A : f32 to vector<1x64xf32>
    %add3A_16 = arith.addf %sub3A, %add3A_15 : vector<1x64xf32>
    %sqrt3A = math.sqrt %add3A_16 : vector<1x64xf32>
    %div3A_17 = vector.broadcast %sqrt3A : vector<1x64xf32> to vector<4096x64xf32>
    %div3A_18 = arith.divf %sub3A_14, %div3A_17 : vector<4096x64xf32>
    %get3A_19 = arith.constant 0 : index
    %get3A_20 = arith.constant 0 : index
    %get3A_21 = vector.load %arg3[%get3A_19, %get3A_20] : memref<1x64xf32, #tpu.memory_space<vmem>>, vector<1x64xf32>
    %mul3A_22 = vector.broadcast %get3A_21 : vector<1x64xf32> to vector<4096x64xf32>
    %mul3A_23 = arith.mulf %div3A_18, %mul3A_22 : vector<4096x64xf32>
    %get3A_24 = arith.constant 0 : index
    %get3A_25 = arith.constant 0 : index
    %get3A_26 = vector.load %arg4[%get3A_24, %get3A_25] : memref<1x64xf32, #tpu.memory_space<vmem>>, vector<1x64xf32>
    %add3A_27 = vector.broadcast %get3A_26 : vector<1x64xf32> to vector<4096x64xf32>
    %add3A_28 = arith.addf %mul3A_23, %add3A_27 : vector<4096x64xf32>
    %max3A = arith.constant 0.000000e+00 : f32
    %max3A_29 = vector.broadcast %max3A : f32 to vector<4096x64xf32>
    %max3A_30 = arith.maximumf %add3A_28, %max3A_29 : vector<4096x64xf32>
    %reshape3A = vector.shape_cast %max3A_30 : vector<4096x64xf32> to vector<128x32x64xf32>
    %reduce_max3A = arith.constant dense<0xFF800000> : vector<128x64xf32>
    %reduce_max3A_31 = vector.multi_reduction <maximumf>, %reshape3A, %reduce_max3A [1] : vector<128x32x64xf32> to vector<128x64xf32>
    %swap3A = arith.constant 0 : index
    %swap3A_32 = arith.constant 0 : index
    %swap3A_33 = vector.load %arg5[%swap3A, %swap3A_32] : memref<128x64xf32, #tpu.memory_space<vmem>>, vector<128x64xf32>
    tpu.vector_store %arg5[%swap3A, %swap3A_32], %reduce_max3A_31 {strides = array<i32>} : memref<128x64xf32, #tpu.memory_space<vmem>>, vector<128x64xf32>,
    return
  }
  func.func @transform_0(%arg0: i32) -> (i32, i32) {
    %c0_i32 = arith.constant 0 : i32
    %c0_i32_0 = arith.constant 0 : i32
    return %arg0, %c0_i32 : i32, i32
  }
  func.func @transform_1(%arg0: i32) -> (i32, i32) {
    %c0_i32 = arith.constant 0 : i32
    %c0_i32_0 = arith.constant 0 : i32
    %c0_i32_1 = arith.constant 0 : i32
    return %c0_i32, %c0_i32_0 : i32, i32
  }
  func.func @transform_2(%arg0: i32) -> (i32, i32) {
    %c0_i32 = arith.constant 0 : i32
    %c0_i32_0 = arith.constant 0 : i32
    %c0_i32_1 = arith.constant 0 : i32
    return %c0_i32, %c0_i32_0 : i32, i32
  }
  func.func @transform_3(%arg0: i32) -> (i32, i32) {
    %c0_i32 = arith.constant 0 : i32
    %c0_i32_0 = arith.constant 0 : i32
    %c0_i32_1 = arith.constant 0 : i32
    return %c0_i32, %c0_i32_0 : i32, i32
  }
  func.func @transform_4(%arg0: i32) -> (i32, i32) {
    %c0_i32 = arith.constant 0 : i32
    %c0_i32_0 = arith.constant 0 : i32
    return %arg0, %c0_i32 : i32, i32
  }
}

</mosaic_0001>

<sc_bundles>
// kernel: kernel.8.cloned.1.call-start
scs
__scs_entry_jumppad:
0x0: {  	(pc) =	sbr.rel $0x88, $3  }
0x1: {  	(tag) =	ssettag $0x0;
	lr =	simm.s32 $0x1  }
0x2: {  	[smem:$0x3F97] =	sst lr;
	_ =	strace $0xD0000000  }
0x3: {  	_ = 	snop  }
0x4: {  	_ = 	snop  }
0x5: {  	_ = 	snop  }
0x6: {  	_ = 	snop  }
0x7: {  	_ = 	snop  }
__scs_overlays_trampoline_lowered:
0x8: {  	[smem:$0x3FA6] =	sst s0  }
0x9: {  	[smem:$0x3FA7] =	sst s1  }
0xa: {  	[smem:$0x3FA8] =	sst s2  }
0xb: {  	[smem:$0x3FA9] =	sst s3  }
0xc: {  	[smem:$0x3FAA] =	sst s4  }
0xd: {  	[smem:$0x3FAB] =	sst s5  }
0xe: {  	[smem:$0x3FAC] =	sst s6  }
0xf: {  	[smem:$0x3FAD] =	sst s7  }
0x10: {  	[smem:$0x3FAE] =	sst s8  }
0x11: {  	[smem:$0x3FAF] =	sst s9;
	s0 =	simm.s32 @!p0 $0x0  }
0x12: {  	s1 =	sld [smem:$0x3F95];
	s0 =	simm.s32 @p0 $0x1  }
0x13: {  	[smem:$0x3FB0] =	sst s0;
	s0 =	simm.s32 @!p1 $0x0  }
0x14: {  	s2 =	sld [smem:$0x3F94];
	s0 =	simm.s32 @p1 $0x1  }
0x15: {  	[smem:$0x3FB1] =	sst s0;
	s0 =	simm.s32 @!p2 $0x0  }
0x16: {  	s3 =	sld [smem:$0x3FDB];
	s0 =	simm.s32 @p2 $0x1  }
0x17: {  	s4 =	simm.s32 $0x1BF5;
	[smem:$0x3FB3] =	sst s0  }
0x18: {  	s0 =	sld [smem:$0x3F96];
	_ =	swait.ge [sflag:s4], $0x0  }
0x19: {  	s7 =	sld [smem:$0x3F97]  }
0x1a: {  	s8 =	sadd.s32 $0xFFFFE003, lr  }
0x1b: {  	s9 =	sadd.s32 $0xFFFFFEF7, lr;
	s5 =	simm.s32 $0xFFFFFFFF;
	p2 =	slt.u32 s8, $0xFFFFF086  }
0x1c: {  	p1 =	slt.u32 s9, $0xF7A;
	s5 =	simm.s32 @!p2 $0x0  }
0x1d: {  	s5 =	simm.s32 @p1 $0x1;
	p0 =	seq.s32 s7, s2  }
0x1e: {  	s7 =	smul.u32 @!p0 $0xF7A, s2;
	p2 =	seq.s32 @!p0 s5, $0x0  }
0x1f: {  	s9 =	smul.u32 $0xF7A, s1;
	s8 =	simm.s32 @!p0 $0x1BF5;
	p2 =	por !p2, p0  }
0x20: {  	[sflag:s8] =	ssyncset.s32 @!p0 $0xFFFFF086;
	s6 =	sadd.s32 @!p0 s3, s7;
	s7 =	simm.s32 @!p0 $0x108  }
0x21: {  	s3 =	sadd.s32 s3, s9;
	s6 =	sadd.s32 @!p0 $0x88, s6;
	s7 =	simm.s32 @p2 $0x1082  }
0x22: {  	[simem:s7], [sflag:s8] =	dma.local @!p0 [hbm:s6], $0xF7A  }
0x23: {  	s9 =	sor.u32 $0xD0000000, s2;
	s6 =	simm.s32 $0x108;
	_ =	swait.ge @!p0 [sflag:s8], $0x0  }
0x24: {  	s3 =	sadd.s32 $0x88, s3;
	s6 =	simm.s32 @!p1 $0x1082;
	[sflag:s4] =	ssyncset.s32 $0xFFFFF086  }
0x25: {  	[simem:s6], [sflag:s4] =	dma.local [hbm:s3], $0xF7A  }
0x26: {  	[smem:$0x3F97] =	sst s1;
	(tag) =	ssettag s2;
	_ =	strace s9  }
0x27: {  	s1 =	sld [smem:$0x3FA7]  }
0x28: {  	s2 =	sld [smem:$0x3FA8]  }
0x29: {  	s4 =	sld [smem:$0x3FAA]  }
0x2a: {  	p0 =	seq.s32 s5, $0x0;
	s5 =	sld [smem:$0x3FAB]  }
0x2b: {  	s6 =	sld [smem:$0x3FAC]  }
0x2c: {  	s7 =	sld [smem:$0x3FAD]  }
0x2d: {  	s3 =	simm.s32 $0x108;
	s8 =	sld [smem:$0x3FAE]  }
0x2e: {  	s3 =	simm.s32 @!p0 $0x1082;
	s9 =	sld [smem:$0x3FAF]  }
0x2f: {  	lr =	sadd.s32 s0, s3;
	s0 =	sld [smem:$0x3FA6]  }
0x30: {  	s3 =	sld [smem:$0x3FA9]  }
0x31: {  	[smem:$0x3FB2] =	sst s10  }
0x32: {  	s10 =	sld [smem:$0x3FB0];
	_ =	sdelay $0x3  }
0x33: {  	p0 =	seq.s32 s10, $0x1;
	s10 =	sld [smem:$0x3FB2];
	_ =	sdelay $0x3  }
0x34: {  	[smem:$0x3FB2] =	sst s10  }
0x35: {  	s10 =	sld [smem:$0x3FB1];
	_ =	sdelay $0x3  }
0x36: {  	p1 =	seq.s32 s10, $0x1;
	s10 =	sld [smem:$0x3FB2];
	_ =	sdelay $0x3  }
0x37: {  	[smem:$0x3FB2] =	sst s10  }
0x38: {  	s10 =	sld [smem:$0x3FB3]  }
0x39: {  	_ = 	snop;
	(pc) =	sbr.ind lr, $3  }
0x3a: {  	_ = 	snop  }
0x3b: {  	_ = 	snop  }
0x3c: {  	p2 =	seq.s32 s10, $0x1;
	s10 =	sld [smem:$0x3FB2]  }
0x3d: {  	_ =	shalt  }
0x3e: {  	_ =	shalt  }
0x3f: {  	_ =	shalt  }
0x40: {  	_ =	shalt  }
0x41: {  	_ =	shalt  }
0x42: {  	_ =	shalt  }
0x43: {  	_ =	shalt  }
0x44: {  	_ =	shalt  }
0x45: {  	_ =	shalt  }
0x46: {  	_ =	shalt  }
0x47: {  	_ =	shalt  }
0x48: {  	_ =	shalt  }
0x49: {  	_ =	shalt  }
0x4a: {  	_ =	shalt  }
0x4b: {  	_ =	shalt  }
0x4c: {  	_ =	shalt  }
0x4d: {  	_ =	shalt  }
0x4e: {  	_ =	shalt  }
0x4f: {  	_ =	shalt  }
0x50: {  	_ =	shalt  }
0x51: {  	_ =	shalt  }
0x52: {  	_ =	shalt  }
0x53: {  	_ =	shalt  }
0x54: {  	_ =	shalt  }
0x55: {  	_ =	shalt  }
0x56: {  	_ =	shalt  }
0x57: {  	_ =	shalt  }
0x58: {  	_ =	shalt  }
0x59: {  	_ =	shalt  }
0x5a: {  	_ =	shalt  }
0x5b: {  	_ =	shalt  }
0x5c: {  	_ =	shalt  }
0x5d: {  	_ =	shalt  }
0x5e: {  	_ =	shalt  }
0x5f: {  	_ =	shalt  }
0x60: {  	_ =	shalt  }
0x61: {  	_ =	shalt  }
0x62: {  	_ =	shalt  }
0x63: {  	_ =	shalt  }
0x64: {  	_ =	shalt  }
0x65: {  	_ =	shalt  }
0x66: {  	_ =	shalt  }
0x67: {  	_ =	shalt  }
0x68: {  	_ =	shalt  }
0x69: {  	_ =	shalt  }
0x6a: {  	_ =	shalt  }
0x6b: {  	_ =	shalt  }
0x6c: {  	_ =	shalt  }
0x6d: {  	_ =	shalt  }
0x6e: {  	_ =	shalt  }
0x6f: {  	_ =	shalt  }
0x70: {  	_ =	shalt  }
0x71: {  	_ =	shalt  }
0x72: {  	_ =	shalt  }
0x73: {  	_ =	shalt  }
0x74: {  	_ =	shalt  }
0x75: {  	_ =	shalt  }
0x76: {  	_ =	shalt  }
0x77: {  	_ =	shalt  }
0x78: {  	_ =	shalt  }
0x79: {  	_ =	shalt  }
0x7a: {  	_ =	shalt  }
0x7b: {  	_ =	shalt  }
0x7c: {  	_ =	shalt  }
0x7d: {  	_ =	shalt  }
0x7e: {  	_ =	shalt  }
0x7f: {  	_ =	shalt  }
0x80: {  	_ =	shalt  }
0x81: {  	_ =	shalt  }
0x82: {  	_ =	shalt  }
0x83: {  	_ =	shalt  }
0x84: {  	_ =	shalt  }
0x85: {  	_ =	shalt  }
0x86: {  	_ =	shalt  }
0x87: {  	_ =	shalt  }
.Lfunc_end0:
.L_simem_size_0:
called_computation_lowered:
.L_overlay_start_0:
0x88: {  	s2 =	sld [smem:$0x3FD9]  }
0x89: {  	s3 =	sld [smem:$0x3FFE];
	_ =	sdelay $0x1  }
0x8a: {  	s1 =	srdreg.scid  }
0x8b: {  	s0 =	sand.u32 $0x1, s1  }
0x8c: {  	s14 =	sshll.u32 s0, $0xA;
	s2 =	sadd.s32 s3, s2  }
0x8d: {  	s2 =	sadd.s32 s2, s14  }
0x8e: {  	[smem:$0x3FBE] =	sst s2  }
0x8f: {  	_ = 	snop  }
0x90: {  	s2 =	sld [smem:$0x3FD0];
	_ =	sdelay $0x2  }
0x91: {  	s15 =	simm.s32 $0xA;
	s4 =	simm.s32 $0x10  }
0x92: {  	[smem:s4], [sflag:s15] =	dma.local [hbm:s2], $0x1  }
0x93: {  	_ =	swait.eq [sflag:s15], $0x1  }
0x94: {  	[sflag:s15] =	ssyncset.done $0x0  }
0x95: {  	[sflag:s15] =	ssyncadd.s32 $0xFFFFFFFF  }
0x96: {  	s16 =	sld [smem:$0x11];
	(tm) =	ssettm $0x1  }
0x97: {  	s17 =	sld [smem:$0x3FFB];
	_ =	sdelay $0x3  }
0x98: {  	_ =	strace s17  }
0x99: {  	s3 =	sld [smem:$0x3FFC];
	_ =	sdelay $0x3  }
0x9a: {  	_ =	strace s3  }
0x9b: {  	s3 =	sld [smem:$0x3FFD];
	_ =	sdelay $0x3  }
0x9c: {  	_ =	strace s3  }
0x9d: {  	_ =	strace $0x8FFFFFFF  }
0x9e: {  	s18 =	sld [smem:$0x3FDB];
	_ =	sdelay $0x1  }
0x9f: {  	s19 =	simm.s32 $_scs_section_size  }
0xa0: {  	s5 =	simm.s32 $_size__tile_overlayer_lowered;
	s6 =	simm.s32 $_tile_overlayer_lowered  }
0xa1: {  	s22 =	simm.s32 $0x1BFF;
	s21 =	sshll.u32 s6, $0x1;
	s3 =	sadd.s32 s19, s18  }
0xa2: {  	s7 =	simm.s32 $0x0;
	s20 =	sshll.u32 s5, $0x1;
	s5 =	sadd.s32 s21, s3  }
0xa3: {  	[timem:s7], [sflag:s22] =	dma.local [hbm:s5], s20  }
0xa4: {  	_ =	swait.ge [sflag:s22], s20  }
0xa5: {  	s4 =	ssub.s32 $0x0, s20;
	[sflag:s22] =	ssyncset.done $0x0  }
0xa6: {  	[sflag:s22] =	ssyncadd.s32 s4;
	_ =	sdelay $0x1  }
0xa7: {  	s23 =	simm.s32 $0x1B8B  }
0xa8: {  	_ =	swait.ge [sflag:s23], $0x1  }
0xa9: {  	[sflag:s23] =	ssyncset.done $0x0  }
0xaa: {  	s25 =	simm.s32 $0x1B8E;
	s24 =	sld [smem:$0x3FFE];
	[sflag:s23] =	ssyncadd.s32 $0xFFFFFFFF  }
0xab: {  	s26 =	simm.s32 $execute0_lowered;
	[smem:$0x3FD2] =	sst s25  }
0xac: {  	s5 =	sshll.u32 s26, $0x1;
	_ =	strace $0x80000046;
	[dreg:$0x1] =	wrdreg $0xFFFFFFFF  }
0xad: {  	s28 =	simm.s32 $_size_execute0_lowered;
	s3 =	sadd.s32 s3, s5;
	[dreg:$0x0] =	wrdreg $0x0  }
0xae: {  	s5 =	sshll.u32 s28, $0x1;
	[dreg:$0x2] =	wrdreg s3  }
0xaf: {  	[dreg:$0x3] =	wrdreg s5  }
0xb0: {  	[dreg:$0x4] =	wrdreg $0xC0  }
0xb1: {  	_ =	task [dreg:s7], $0x5FFFF  }
0xb2: {  	[dreg:$0x1] =	wrdreg $0xFFFFFFFF  }
0xb3: {  	[dreg:$0x0] =	wrdreg $0x60  }
0xb4: {  	[dreg:$0x2] =	wrdreg s24  }
0xb5: {  	[dreg:$0x3] =	wrdreg s16  }
0xb6: {  	[dreg:$0x4] =	wrdreg $0x9  }
0xb7: {  	_ =	task.clear_ibuf [dreg:s7], $0x5FFFF;
	_ =	strace $0x90000046  }
0xb8: {  	s29 =	simm.s32 $0x9;
	_ =	strace $0x80000048  }
0xb9: {  	_ =	swait.ge [sflag:s29], $0x1  }
0xba: {  	[sflag:s29] =	ssyncadd.s32 $0xFFFFFFFF  }
0xbb: {  	_ =	strace $0x90000048  }
0xbc: {  	_ =	sfence  }
0xbd: {  	s30 =	sld [smem:$0x0];
	_ =	sdelay $0x2  }
0xbe: {  	s31 =	sshll.u32 s1, $0xD;
	s1 =	sshrl.u32 s1, $0x2  }
0xbf: {  	s3 =	sand.u32 $0x4000, s31;
	s1 =	sadd.s32 s1, s30  }
0xc0: {  	s0 =	sor.u32 s3, s0;
	s1 =	sshll.u32 s1, $0x11  }
0xc1: {  	s0 =	sor.u32 s1, s0  }
0xc2: {  	s0 =	sadd.s32 $0x8F2B, s0  }
0xc3: {  	[sflag:s0] =	ssyncadd.remote.s32 $0x1  }
0xc4: {  	_ =	sfence.sel $0xFFFF  }
0xc5: {  	[dreg:$0x0] =	wrdreg $0xFFFFFFFF;
	(pc) =	sbr.abs _section_cstart, $3  }
0xc6: {  	[dreg:$0x1] =	wrdreg $0xFFFFFFFF  }
0xc7: {  	_ =	task.clear_ibuf [dreg:s7], $0x2FFFF;
	_ =	strace $0x9FFFFFFF  }
0xc8: {  	(tm) =	ssettm $0x7FFFFFFF  }
0xc9: {  	_ =	shalt  }
tec
execute0_lowered:
.L_overlay_start_1:
0x0: {  	(tag) =	ssettag $0x1  }
0x1: {  	s4 =	rddreg [dreg:$0x0]  }
0x2: {  	s5 =	rddreg [dreg:$0x1];
	s1 =	srdreg.scid  }
0x3: {  	s0 =	rddreg [dreg:$0x2];
	s2 =	simm.s32 $0x0;
	s10 =	simm.s32 $0x0  }
0x4: {  	s6 =	sand.u32 $0x1, s1;
	[smem:$0x7FF] =	sst s2;
	s1 =	stileid.u32  }
0x5: {  	s3 =	sadd.s32 $0x1C00, s4;
	s7 =	ssub.s32 $0x2, s6;
	s8 =	smul.u32 $0x6000, s1  }
0x6: {  	_ =	strace $0x80000047;
	s29 =	smul.u32 $0x3000, s6;
	s30 =	sshll.u32 s1, $0x9  }
0x7: {  	s6 =	sshll.u32 s6, $0x8;
	s9 =	sshrl.u32 s7, $0x1;
	s5 =	sadd.s32 s30, s5  }
0x8: {  	s7 =	ssub.s32 s7, s9;
	s8 =	sadd.s32 s8, s4;
	s5 =	sadd.s32 s6, s5  }
0x9: {  	s9 =	simm.s32 $0x1;
	s4 =	smax.u32 s7, $0x1;
	s31 =	sadd.s32 s29, s8  }
0xa: {  	s7 =	simm.s32 $0x2;
	s8 =	simm.s32 $0x80;
	s6 =	sadd.s32 $0x31C00, s31  }
.LBB2_1:
0xb: {  	s11 =	sadd.s32 $0x0, s5  }
0xc: {  	[tilespmem:s2], [sflag:$0x2] =	stream.linear.gather [hbm4b:s11+s2], $0x80, $0x38;
	[tilespmem:$0x1880] =	vst v63  }
0xd: {  	_ =	swait.ge [sflag:s7], $0x80  }
0xe: {  	[sflag:s7] =	ssyncset.done $0x0  }
0xf: {  	[sflag:s7] =	ssyncadd.s32 $0xFFFFFF80  }
0x10: {  	[tilespmem:s8], [sflag:$0x1] =	stream.indirect.gather [hbm4b:s3+s8], $0x30, s2, s8, $0xb8;
	[tilespmem:$0x1880] =	vst v63  }
0x11: {  	_ =	swait.ge [sflag:s9], $0x1800  }
0x12: {  	[sflag:s9] =	ssyncset.done $0x0  }
0x13: {  	[sflag:s9] =	ssyncadd.s32 $0xFFFFE800  }
0x14: {  	[hbm4b:s6+s2] =	stream.linear.scatter [tilespmem:s8], [sflag:$0x2], $0x1800, $0x38;
	[tilespmem:$0x1880] =	vst v63  }
0x15: {  	s12 =	simm.s32 $0x10;
	_ =	swait.ge [sflag:s7], $0x1800  }
0x16: {  	s13 =	simm.s32 $0x20;
	s11 =	sadd.s32 $0x300, s6;
	[sflag:s7] =	ssyncset.done $0x0  }
.LBB2_2:
0x17: {  	s14 =	sadd.s32 s12, s5  }
0x18: {  	[sflag:s7] =	ssyncadd.s32 $0xFFFFE800;
	s12 =	smov.u32 s13;
	s15 =	sadd.s32 $0x10, s13  }
0x19: {  	[tilespmem:s2], [sflag:$0x2] =	stream.linear.gather [hbm4b:s14+s2], $0x80, $0x38;
	[tilespmem:$0x1880] =	vst v63  }
0x1a: {  	p0 =	sne.s32 s13, $0xF0;
	_ =	swait.ge [sflag:s7], $0x80  }
0x1b: {  	[sflag:s7] =	ssyncset.done $0x0  }
0x1c: {  	[sflag:s7] =	ssyncadd.s32 $0xFFFFFF80  }
0x1d: {  	[tilespmem:s8], [sflag:$0x1] =	stream.indirect.gather [hbm4b:s3+s8], $0x30, s2, s8, $0xb8;
	[tilespmem:$0x1880] =	vst v63  }
0x1e: {  	_ =	swait.ge [sflag:s9], $0x1800  }
.Ltmp0:
0x1f: {  	[sflag:s9] =	ssyncset.done $0x0;
	(pc) =	sbr.rel @p0 .LBB2_2-.Ltmp0, $4  }
0x20: {  	[sflag:s9] =	ssyncadd.s32 $0xFFFFE800  }
0x21: {  	[hbm4b:s11+s2] =	stream.linear.scatter [tilespmem:s8], [sflag:$0x2], $0x1800, $0x38;
	[tilespmem:$0x1880] =	vst v63  }
0x22: {  	_ =	swait.ge [sflag:s7], $0x1800  }
0x23: {  	s13 =	smov.u32 s15;
	s11 =	sadd.s32 $0x300, s11;
	[sflag:s7] =	ssyncset.done $0x0  }
0x24: {  	s12 =	sadd.s32 s12, s5;
	[sflag:s7] =	ssyncadd.s32 $0xFFFFE800  }
0x25: {  	[tilespmem:s2], [sflag:$0x2] =	stream.linear.gather [hbm4b:s12+s2], $0x80, $0x38;
	[tilespmem:$0x1880] =	vst v63  }
0x26: {  	_ =	swait.ge [sflag:s7], $0x80  }
0x27: {  	[sflag:s7] =	ssyncset.done $0x0  }
0x28: {  	[sflag:s7] =	ssyncadd.s32 $0xFFFFFF80  }
0x29: {  	[tilespmem:s8], [sflag:$0x1] =	stream.indirect.gather [hbm4b:s3+s8], $0x30, s2, s8, $0xb8;
	[tilespmem:$0x1880] =	vst v63  }
0x2a: {  	s10 =	sadd.s32 $0x1, s10;
	_ =	swait.ge [sflag:s9], $0x1800  }
0x2b: {  	p0 =	sne.s32 s10, s4;
	[sflag:s9] =	ssyncset.done $0x0  }
.Ltmp1:
0x2c: {  	[sflag:s9] =	ssyncadd.s32 $0xFFFFE800;
	(pc) =	sbr.rel @p0 .LBB2_1-.Ltmp1, $4  }
0x2d: {  	[hbm4b:s11+s2] =	stream.linear.scatter [tilespmem:s8], [sflag:$0x2], $0x1800, $0x38;
	[tilespmem:$0x1880] =	vst v63  }
0x2e: {  	_ =	swait.ge [sflag:s7], $0x1800  }
0x2f: {  	[sflag:s7] =	ssyncset.done $0x0  }
0x30: {  	[sflag:s7] =	ssyncadd.s32 $0xFFFFE800  }
0x31: {  	_ =	sfence.sel $0x180000  }
0x32: {  	[bflag:$0x0] =	sbarrier.arrive $0xFFFF  }
0x33: {  	p0 =	sne.s32 s1, $0x0;
	_ =	strace $0x90000047  }
0x34: {  	s0 =	sadd.s32 @!p0 $0x100000, s0;
	[bflag:$0x2] =	sbarrier.arrive $0xFFFF  }
0x35: {  	[sflag:s0] =	ssyncadd.tile.s32 @!p0 $0x1;
	_ =	shalt  }
.Lfunc_end2:
_tile_overlayer_lowered:
.L_overlay_start_2:
0x36: {  	(tag) =	ssettag $0x2  }
0x37: {  	s0 =	rddreg [dreg:$0x0];
	s2 =	stileid.u32  }
0x38: {  	s1 =	rddreg [dreg:$0x1];
	p0 =	sne.s32 s2, $0x0  }
0x39: {  	s3 =	rddreg [dreg:$0x2];
	[bflag:$0x3] =	sbarrier.arrive $0xFFFF;
	s2 =	simm.s32 @!p0 $0x1C02  }
0x3a: {  	[timem:s3], [sflag:s2] =	dma.local @!p0 [hbm:s0], s1  }
0x3b: {  	s0 =	simm.s32 @!p0 $0x2  }
0x3c: {  	_ =	swait.ge @!p0 [sflag:s0], s1  }
0x3d: {  	s1 =	ssub.s32 @!p0 $0x0, s1;
	[sflag:s0] =	ssyncset.done @!p0 $0x0  }
0x3e: {  	[sflag:s0] =	ssyncadd.s32 @!p0 s1  }
0x3f: {  	[bflag:$0x3] =	sbarrier.arrive $0xFFFF  }
0x40: {  	_ =	shalt  }

</sc_bundles>
